<compile_context>
chip_gen: v7x
topology: tpu7x:2x2x1
jax: 0.10.2.dev20260603
libtpu: 0.0.44.dev20260713+nightly
codegen_flags: <defaults>
</compile_context>

<pallas_src>
import jax
import jax.numpy as jnp
from jax import lax
from jax.experimental import pallas as pl
from jax.experimental.pallas import tpu as pltpu
from jax.experimental.pallas import tpu_sc as plsc

NUM_USERS = 1000000
NUM_ITEMS = 1000000
EMBED_DIM = 32
BATCH = 16384

_info = plsc.get_sparse_core_info()
_NC, _NS, _L = _info.num_cores, _info.num_subcores, _info.num_lanes
_NW = _NC * _NS
_BPW = BATCH // _NW
_CHUNK = 128
_NCHUNK = _BPW // _CHUNK


def _body(uid_hbm, iid_hbm, uemb_hbm, iemb_hbm, ubias_hbm, ibias_hbm,
          out_hbm,
          uidx_v, iidx_v, urows_v, irows_v, ub_v, ib_v, out_v, sem):
    wid = lax.axis_index("c") * _NS + lax.axis_index("s")
    base = wid * _BPW
    crow = wid * _NCHUNK

    pltpu.sync_copy(uid_hbm.at[pl.ds(crow, _NCHUNK)], uidx_v)
    pltpu.sync_copy(iid_hbm.at[pl.ds(crow, _NCHUNK)], iidx_v)

    copies = []
    for j in range(_NCHUNK):
        copies.append(pltpu.async_copy(
            uemb_hbm.at[uidx_v.at[j]], urows_v.at[pl.ds(j * _CHUNK, _CHUNK), :],
            sem))
        copies.append(pltpu.async_copy(
            iemb_hbm.at[iidx_v.at[j]], irows_v.at[pl.ds(j * _CHUNK, _CHUNK), :],
            sem))
        copies.append(pltpu.async_copy(
            ubias_hbm.at[uidx_v.at[j]], ub_v.at[pl.ds(j * _CHUNK, _CHUNK)],
            sem))
        copies.append(pltpu.async_copy(
            ibias_hbm.at[iidx_v.at[j]], ib_v.at[pl.ds(j * _CHUNK, _CHUNK)],
            sem))
    for c in copies:
        c.wait()

    lanes = lax.iota(jnp.int32, _L)

    def group(t, carry):
        res = jnp.zeros((_L,), jnp.float32)
        for m in range(_L):
            r = t * _L + m
            u0 = urows_v[r, pl.ds(0, _L)]
            u1 = urows_v[r, pl.ds(_L, _L)]
            i0 = irows_v[r, pl.ds(0, _L)]
            i1 = irows_v[r, pl.ds(_L, _L)]
            s = jnp.sum(u0 * i0 + u1 * i1)
            res = jnp.where(lanes == m, s, res)
        res = res + ub_v[pl.ds(t * _L, _L)] + ib_v[pl.ds(t * _L, _L)]
        out_v[pl.ds(t * _L, _L)] = res
        return carry

    lax.fori_loop(0, _BPW // _L, group, 0)

    pltpu.sync_copy(out_v, out_hbm.at[pl.ds(base, _BPW)])


def kernel(user_ids, item_ids, user_emb, item_emb, user_bias_table,
           item_bias_table):
    uid2 = user_ids.astype(jnp.int32).reshape(_NW * _NCHUNK, _CHUNK)
    iid2 = item_ids.astype(jnp.int32).reshape(_NW * _NCHUNK, _CHUNK)
    ubias_flat = user_bias_table.reshape(NUM_USERS)
    ibias_flat = item_bias_table.reshape(NUM_ITEMS)

    mesh = plsc.VectorSubcoreMesh(core_axis_name="c", subcore_axis_name="s")
    f = pl.kernel(
        _body, mesh=mesh,
        out_type=jax.ShapeDtypeStruct((BATCH,), jnp.float32),
        scratch_types=[
            pltpu.VMEM((_NCHUNK, _CHUNK), jnp.int32),
            pltpu.VMEM((_NCHUNK, _CHUNK), jnp.int32),
            pltpu.VMEM((_BPW, EMBED_DIM), jnp.float32),
            pltpu.VMEM((_BPW, EMBED_DIM), jnp.float32),
            pltpu.VMEM((_BPW,), jnp.float32),
            pltpu.VMEM((_BPW,), jnp.float32),
            pltpu.VMEM((_BPW,), jnp.float32),
            pltpu.SemaphoreType.DMA,
        ],
        compiler_params=pltpu.CompilerParams(
            needs_layout_passes=False, use_tc_tiling_on_sc=False),
    )
    return f(uid2, iid2, user_emb, item_emb, ubias_flat, ibias_flat)

# --- scband reference (transcript-rebuilt; emitter-appended) ---
"""Pipeline reference for scband-bilinear-net-18485539242195 (READ-ONLY COPY).

The authoritative reference and input builder live on the scoring server;
editing this copy changes nothing except your own understanding.
"""

import jax, jax.numpy as jnp
import numpy as np

NUM_USERS = 1000000
NUM_ITEMS = 1000000
EMBED_DIM = 32
BATCH = 16384


def setup_inputs(seed: int = 0) -> dict:
    key = jax.random.key(seed)
    k1, k2, k3, k4 = jax.random.split(key, 4)
    user_ids = jax.random.randint(k1, (BATCH,), 0, NUM_USERS, dtype=jnp.int64 if jax.config.jax_enable_x64 else jnp.int32)
    item_ids = jax.random.randint(k2, (BATCH,), 0, NUM_ITEMS, dtype=jnp.int64 if jax.config.jax_enable_x64 else jnp.int32)
    # ScaledEmbedding: normal init scaled by 1/embedding_dim
    user_emb = jax.random.normal(k3, (NUM_USERS, EMBED_DIM), dtype=jnp.float32) / EMBED_DIM
    item_emb = jax.random.normal(k4, (NUM_ITEMS, EMBED_DIM), dtype=jnp.float32) / EMBED_DIM
    # ZeroEmbedding: zero-initialized bias tables
    user_bias_table = jnp.zeros((NUM_USERS, 1), dtype=jnp.float32)
    item_bias_table = jnp.zeros((NUM_ITEMS, 1), dtype=jnp.float32)
    return {
        "user_ids": user_ids,
        "item_ids": item_ids,
        "user_emb": user_emb,
        "item_emb": item_emb,
        "user_bias_table": user_bias_table,
        "item_bias_table": item_bias_table,
    }


def reference(user_ids, item_ids, user_emb, item_emb, user_bias_table, item_bias_table):
    # Embedding lookups (gathers)
    user_embedding = jnp.take(user_emb, user_ids, axis=0)        # [B, D]
    item_embedding = jnp.take(item_emb, item_ids, axis=0)        # [B, D]
    user_bias = jnp.take(user_bias_table, user_ids, axis=0)[:, 0]  # [B]
    item_bias = jnp.take(item_bias_table, item_ids, axis=0)[:, 0]  # [B]
    dot = jnp.sum(user_embedding * item_embedding, axis=1)       # [B]
    return dot + user_bias + item_bias

if __name__ == "__main__":
    import jax
    _d = setup_inputs()
    print(jax.jit(kernel)(*tuple(_d.values())))

</pallas_src>

<mosaic_0001>
#map = affine_map<(d0, d1) -> (0, 0)>
#map1 = affine_map<(d0, d1) -> (0)>
module attributes {stable_mosaic.version = 14 : i64} {
  func.func @_body(%arg0: i32, %arg1: i32, %arg2: memref<128x128xi32, #tpu.memory_space<hbm>>, %arg3: memref<128x128xi32, #tpu.memory_space<hbm>>, %arg4: memref<1000000x32xf32, #tpu.memory_space<hbm>>, %arg5: memref<1000000x32xf32, #tpu.memory_space<hbm>>, %arg6: memref<1000000xf32, #tpu.memory_space<hbm>>, %arg7: memref<1000000xf32, #tpu.memory_space<hbm>>, %arg8: memref<16384xf32, #tpu.memory_space<hbm>>, %arg9: memref<4x128xi32, #tpu.memory_space<vmem>>, %arg10: memref<4x128xi32, #tpu.memory_space<vmem>>, %arg11: memref<512x32xf32, #tpu.memory_space<vmem>>, %arg12: memref<512x32xf32, #tpu.memory_space<vmem>>, %arg13: memref<512xf32, #tpu.memory_space<vmem>>, %arg14: memref<512xf32, #tpu.memory_space<vmem>>, %arg15: memref<512xf32, #tpu.memory_space<vmem>>, %arg16: memref<!tpu.dma_semaphore, #tpu.memory_space<semaphore_mem>>) attributes {dimension_semantics = [#tpu.dimension_semantics<core_parallel>, #tpu.dimension_semantics<subcore_parallel>], iteration_bounds = array<i64: 2, 16>, scalar_prefetch = 0 : i64, scratch_operands = 8 : i64, tpu.core_type = #tpu.core_type<sc_vector_subcore>, window_params = [{transform_indices = #map}, {transform_indices = #map}, {transform_indices = #map}, {transform_indices = #map}, {transform_indices = #map1}, {transform_indices = #map1}, {transform_indices = #map1}]} {
    %mul3A = arith.constant 16 : i32
    %mul3A_0 = arith.muli %arg0, %mul3A : i32
    %add3A = arith.addi %mul3A_0, %arg1 : i32
    %mul3A_1 = arith.constant 512 : i32
    %mul3A_2 = arith.muli %add3A, %mul3A_1 : i32
    %mul3A_3 = arith.constant 4 : i32
    %mul3A_4 = arith.muli %add3A, %mul3A_3 : i32
    "tpu.region"() ({
      %run_scoped3A = tpu.sem_alloc : memref<!tpu.dma_semaphore, #tpu.memory_space<semaphore_mem>>
      %dma_start3A_296 = arith.constant 0 : i32
      %dma_start3A_297 = tpu.memref_slice %arg2[%mul3A_4, %dma_start3A_296] : memref<128x128xi32, #tpu.memory_space<hbm>> -> memref<4x128xi32, #tpu.memory_space<hbm>>
      %dma_start3A_298 = arith.constant 0 : i32
      %dma_start3A_299 = tpu.memref_slice %arg2[%mul3A_4, %dma_start3A_298] : memref<128x128xi32, #tpu.memory_space<hbm>> -> memref<4x128xi32, #tpu.memory_space<hbm>>
      tpu.enqueue_dma source(%dma_start3A_299 : memref<4x128xi32, #tpu.memory_space<hbm>>) target(%arg9 : memref<4x128xi32, #tpu.memory_space<vmem>>) target_semaphore(%run_scoped3A : memref<!tpu.dma_semaphore, #tpu.memory_space<semaphore_mem>>)
      %dma_wait3A_300 = arith.constant 0 : i32
      %dma_wait3A_301 = tpu.memref_slice %arg2[%mul3A_4, %dma_wait3A_300] : memref<128x128xi32, #tpu.memory_space<hbm>> -> memref<4x128xi32, #tpu.memory_space<hbm>>
      %dma_wait3A_302 = arith.constant 0 : i32
      %dma_wait3A_303 = tpu.memref_slice %arg2[%mul3A_4, %dma_wait3A_302] : memref<128x128xi32, #tpu.memory_space<hbm>> -> memref<4x128xi32, #tpu.memory_space<hbm>>
      tpu.wait_dma2 semaphore(%run_scoped3A : memref<!tpu.dma_semaphore, #tpu.memory_space<semaphore_mem>>) src(%dma_wait3A_303 : memref<4x128xi32, #tpu.memory_space<hbm>>) dst(%arg9 : memref<4x128xi32, #tpu.memory_space<vmem>>)
      tpu.yield
    }) : () -> ()
    "tpu.region"() ({
      %run_scoped3A = tpu.sem_alloc : memref<!tpu.dma_semaphore, #tpu.memory_space<semaphore_mem>>
      %dma_start3A_296 = arith.constant 0 : i32
      %dma_start3A_297 = tpu.memref_slice %arg3[%mul3A_4, %dma_start3A_296] : memref<128x128xi32, #tpu.memory_space<hbm>> -> memref<4x128xi32, #tpu.memory_space<hbm>>
      %dma_start3A_298 = arith.constant 0 : i32
      %dma_start3A_299 = tpu.memref_slice %arg3[%mul3A_4, %dma_start3A_298] : memref<128x128xi32, #tpu.memory_space<hbm>> -> memref<4x128xi32, #tpu.memory_space<hbm>>
      tpu.enqueue_dma source(%dma_start3A_299 : memref<4x128xi32, #tpu.memory_space<hbm>>) target(%arg10 : memref<4x128xi32, #tpu.memory_space<vmem>>) target_semaphore(%run_scoped3A : memref<!tpu.dma_semaphore, #tpu.memory_space<semaphore_mem>>)
      %dma_wait3A_300 = arith.constant 0 : i32
      %dma_wait3A_301 = tpu.memref_slice %arg3[%mul3A_4, %dma_wait3A_300] : memref<128x128xi32, #tpu.memory_space<hbm>> -> memref<4x128xi32, #tpu.memory_space<hbm>>
      %dma_wait3A_302 = arith.constant 0 : i32
      %dma_wait3A_303 = tpu.memref_slice %arg3[%mul3A_4, %dma_wait3A_302] : memref<128x128xi32, #tpu.memory_space<hbm>> -> memref<4x128xi32, #tpu.memory_space<hbm>>
      tpu.wait_dma2 semaphore(%run_scoped3A : memref<!tpu.dma_semaphore, #tpu.memory_space<semaphore_mem>>) src(%dma_wait3A_303 : memref<4x128xi32, #tpu.memory_space<hbm>>) dst(%arg10 : memref<4x128xi32, #tpu.memory_space<vmem>>)
      tpu.yield
    }) : () -> ()
    %dma_start3A = arith.constant 0 : i32
    %dma_start3A_5 = arith.constant 0 : i32
    %dma_start3A_6 = arith.constant 0 : i32
    %dma_start3A_7 = tpu.memref_slice %arg11[%dma_start3A_5, %dma_start3A_6] : memref<512x32xf32, #tpu.memory_space<vmem>> -> memref<128x32xf32, #tpu.memory_space<vmem>>
    %dma_start3A_8 = arith.constant 0 : i32
    %dma_start3A_9 = tpu.memref_slice %arg9[%dma_start3A, %dma_start3A_8] : memref<4x128xi32, #tpu.memory_space<vmem>> -> memref<1x128xi32, #tpu.memory_space<vmem>>
    %dma_start3A_10 = tpu.memref_squeeze %dma_start3A_9 : memref<1x128xi32, #tpu.memory_space<vmem>> -> memref<128xi32, #tpu.memory_space<vmem>>
    %dma_start3A_11 = arith.constant 0 : i32
    %dma_start3A_12 = arith.constant 0 : i32
    %dma_start3A_13 = tpu.memref_slice %arg4[%dma_start3A_11, %dma_start3A_12] : memref<1000000x32xf32, #tpu.memory_space<hbm>> -> memref<1000000x32xf32, #tpu.memory_space<hbm>>
    tpu.enqueue_indirect_dma source(%dma_start3A_13 : memref<1000000x32xf32, #tpu.memory_space<hbm>>) target(%dma_start3A_7 : memref<128x32xf32, #tpu.memory_space<vmem>>) offsets(%dma_start3A_10 : memref<128xi32, #tpu.memory_space<vmem>>) semaphore(%arg16 : memref<!tpu.dma_semaphore, #tpu.memory_space<semaphore_mem>>)
    %dma_start3A_14 = arith.constant 0 : i32
    %dma_start3A_15 = arith.constant 0 : i32
    %dma_start3A_16 = arith.constant 0 : i32
    %dma_start3A_17 = tpu.memref_slice %arg12[%dma_start3A_15, %dma_start3A_16] : memref<512x32xf32, #tpu.memory_space<vmem>> -> memref<128x32xf32, #tpu.memory_space<vmem>>
    %dma_start3A_18 = arith.constant 0 : i32
    %dma_start3A_19 = tpu.memref_slice %arg10[%dma_start3A_14, %dma_start3A_18] : memref<4x128xi32, #tpu.memory_space<vmem>> -> memref<1x128xi32, #tpu.memory_space<vmem>>
    %dma_start3A_20 = tpu.memref_squeeze %dma_start3A_19 : memref<1x128xi32, #tpu.memory_space<vmem>> -> memref<128xi32, #tpu.memory_space<vmem>>
    %dma_start3A_21 = arith.constant 0 : i32
    %dma_start3A_22 = arith.constant 0 : i32
    %dma_start3A_23 = tpu.memref_slice %arg5[%dma_start3A_21, %dma_start3A_22] : memref<1000000x32xf32, #tpu.memory_space<hbm>> -> memref<1000000x32xf32, #tpu.memory_space<hbm>>
    tpu.enqueue_indirect_dma source(%dma_start3A_23 : memref<1000000x32xf32, #tpu.memory_space<hbm>>) target(%dma_start3A_17 : memref<128x32xf32, #tpu.memory_space<vmem>>) offsets(%dma_start3A_20 : memref<128xi32, #tpu.memory_space<vmem>>) semaphore(%arg16 : memref<!tpu.dma_semaphore, #tpu.memory_space<semaphore_mem>>)
    %dma_start3A_24 = arith.constant 0 : i32
    %dma_start3A_25 = arith.constant 0 : i32
    %dma_start3A_26 = tpu.memref_slice %arg13[%dma_start3A_25] : memref<512xf32, #tpu.memory_space<vmem>> -> memref<128xf32, #tpu.memory_space<vmem>>
    %dma_start3A_27 = arith.constant 0 : i32
    %dma_start3A_28 = tpu.memref_slice %arg9[%dma_start3A_24, %dma_start3A_27] : memref<4x128xi32, #tpu.memory_space<vmem>> -> memref<1x128xi32, #tpu.memory_space<vmem>>
    %dma_start3A_29 = tpu.memref_squeeze %dma_start3A_28 : memref<1x128xi32, #tpu.memory_space<vmem>> -> memref<128xi32, #tpu.memory_space<vmem>>
    %dma_start3A_30 = arith.constant 0 : i32
    %dma_start3A_31 = tpu.memref_slice %arg6[%dma_start3A_30] : memref<1000000xf32, #tpu.memory_space<hbm>> -> memref<1000000xf32, #tpu.memory_space<hbm>>
    tpu.enqueue_indirect_dma source(%dma_start3A_31 : memref<1000000xf32, #tpu.memory_space<hbm>>) target(%dma_start3A_26 : memref<128xf32, #tpu.memory_space<vmem>>) offsets(%dma_start3A_29 : memref<128xi32, #tpu.memory_space<vmem>>) semaphore(%arg16 : memref<!tpu.dma_semaphore, #tpu.memory_space<semaphore_mem>>)
    %dma_start3A_32 = arith.constant 0 : i32
    %dma_start3A_33 = arith.constant 0 : i32
    %dma_start3A_34 = tpu.memref_slice %arg14[%dma_start3A_33] : memref<512xf32, #tpu.memory_space<vmem>> -> memref<128xf32, #tpu.memory_space<vmem>>
    %dma_start3A_35 = arith.constant 0 : i32
    %dma_start3A_36 = tpu.memref_slice %arg10[%dma_start3A_32, %dma_start3A_35] : memref<4x128xi32, #tpu.memory_space<vmem>> -> memref<1x128xi32, #tpu.memory_space<vmem>>
    %dma_start3A_37 = tpu.memref_squeeze %dma_start3A_36 : memref<1x128xi32, #tpu.memory_space<vmem>> -> memref<128xi32, #tpu.memory_space<vmem>>
    %dma_start3A_38 = arith.constant 0 : i32
    %dma_start3A_39 = tpu.memref_slice %arg7[%dma_start3A_38] : memref<1000000xf32, #tpu.memory_space<hbm>> -> memref<1000000xf32, #tpu.memory_space<hbm>>
    tpu.enqueue_indirect_dma source(%dma_start3A_39 : memref<1000000xf32, #tpu.memory_space<hbm>>) target(%dma_start3A_34 : memref<128xf32, #tpu.memory_space<vmem>>) offsets(%dma_start3A_37 : memref<128xi32, #tpu.memory_space<vmem>>) semaphore(%arg16 : memref<!tpu.dma_semaphore, #tpu.memory_space<semaphore_mem>>)
    %dma_start3A_40 = arith.constant 1 : i32
    %dma_start3A_41 = arith.constant 128 : i32
    %dma_start3A_42 = arith.constant 0 : i32
    %dma_start3A_43 = tpu.memref_slice %arg11[%dma_start3A_41, %dma_start3A_42] : memref<512x32xf32, #tpu.memory_space<vmem>> -> memref<128x32xf32, #tpu.memory_space<vmem>>
    %dma_start3A_44 = arith.constant 0 : i32
    %dma_start3A_45 = tpu.memref_slice %arg9[%dma_start3A_40, %dma_start3A_44] : memref<4x128xi32, #tpu.memory_space<vmem>> -> memref<1x128xi32, #tpu.memory_space<vmem>>
    %dma_start3A_46 = tpu.memref_squeeze %dma_start3A_45 : memref<1x128xi32, #tpu.memory_space<vmem>> -> memref<128xi32, #tpu.memory_space<vmem>>
    %dma_start3A_47 = arith.constant 0 : i32
    %dma_start3A_48 = arith.constant 0 : i32
    %dma_start3A_49 = tpu.memref_slice %arg4[%dma_start3A_47, %dma_start3A_48] : memref<1000000x32xf32, #tpu.memory_space<hbm>> -> memref<1000000x32xf32, #tpu.memory_space<hbm>>
    tpu.enqueue_indirect_dma source(%dma_start3A_49 : memref<1000000x32xf32, #tpu.memory_space<hbm>>) target(%dma_start3A_43 : memref<128x32xf32, #tpu.memory_space<vmem>>) offsets(%dma_start3A_46 : memref<128xi32, #tpu.memory_space<vmem>>) semaphore(%arg16 : memref<!tpu.dma_semaphore, #tpu.memory_space<semaphore_mem>>)
    %dma_start3A_50 = arith.constant 1 : i32
    %dma_start3A_51 = arith.constant 128 : i32
    %dma_start3A_52 = arith.constant 0 : i32
    %dma_start3A_53 = tpu.memref_slice %arg12[%dma_start3A_51, %dma_start3A_52] : memref<512x32xf32, #tpu.memory_space<vmem>> -> memref<128x32xf32, #tpu.memory_space<vmem>>
    %dma_start3A_54 = arith.constant 0 : i32
    %dma_start3A_55 = tpu.memref_slice %arg10[%dma_start3A_50, %dma_start3A_54] : memref<4x128xi32, #tpu.memory_space<vmem>> -> memref<1x128xi32, #tpu.memory_space<vmem>>
    %dma_start3A_56 = tpu.memref_squeeze %dma_start3A_55 : memref<1x128xi32, #tpu.memory_space<vmem>> -> memref<128xi32, #tpu.memory_space<vmem>>
    %dma_start3A_57 = arith.constant 0 : i32
    %dma_start3A_58 = arith.constant 0 : i32
    %dma_start3A_59 = tpu.memref_slice %arg5[%dma_start3A_57, %dma_start3A_58] : memref<1000000x32xf32, #tpu.memory_space<hbm>> -> memref<1000000x32xf32, #tpu.memory_space<hbm>>
    tpu.enqueue_indirect_dma source(%dma_start3A_59 : memref<1000000x32xf32, #tpu.memory_space<hbm>>) target(%dma_start3A_53 : memref<128x32xf32, #tpu.memory_space<vmem>>) offsets(%dma_start3A_56 : memref<128xi32, #tpu.memory_space<vmem>>) semaphore(%arg16 : memref<!tpu.dma_semaphore, #tpu.memory_space<semaphore_mem>>)
    %dma_start3A_60 = arith.constant 1 : i32
    %dma_start3A_61 = arith.constant 128 : i32
    %dma_start3A_62 = tpu.memref_slice %arg13[%dma_start3A_61] : memref<512xf32, #tpu.memory_space<vmem>> -> memref<128xf32, #tpu.memory_space<vmem>>
    %dma_start3A_63 = arith.constant 0 : i32
    %dma_start3A_64 = tpu.memref_slice %arg9[%dma_start3A_60, %dma_start3A_63] : memref<4x128xi32, #tpu.memory_space<vmem>> -> memref<1x128xi32, #tpu.memory_space<vmem>>
    %dma_start3A_65 = tpu.memref_squeeze %dma_start3A_64 : memref<1x128xi32, #tpu.memory_space<vmem>> -> memref<128xi32, #tpu.memory_space<vmem>>
    %dma_start3A_66 = arith.constant 0 : i32
    %dma_start3A_67 = tpu.memref_slice %arg6[%dma_start3A_66] : memref<1000000xf32, #tpu.memory_space<hbm>> -> memref<1000000xf32, #tpu.memory_space<hbm>>
    tpu.enqueue_indirect_dma source(%dma_start3A_67 : memref<1000000xf32, #tpu.memory_space<hbm>>) target(%dma_start3A_62 : memref<128xf32, #tpu.memory_space<vmem>>) offsets(%dma_start3A_65 : memref<128xi32, #tpu.memory_space<vmem>>) semaphore(%arg16 : memref<!tpu.dma_semaphore, #tpu.memory_space<semaphore_mem>>)
    %dma_start3A_68 = arith.constant 1 : i32
    %dma_start3A_69 = arith.constant 128 : i32
    %dma_start3A_70 = tpu.memref_slice %arg14[%dma_start3A_69] : memref<512xf32, #tpu.memory_space<vmem>> -> memref<128xf32, #tpu.memory_space<vmem>>
    %dma_start3A_71 = arith.constant 0 : i32
    %dma_start3A_72 = tpu.memref_slice %arg10[%dma_start3A_68, %dma_start3A_71] : memref<4x128xi32, #tpu.memory_space<vmem>> -> memref<1x128xi32, #tpu.memory_space<vmem>>
    %dma_start3A_73 = tpu.memref_squeeze %dma_start3A_72 : memref<1x128xi32, #tpu.memory_space<vmem>> -> memref<128xi32, #tpu.memory_space<vmem>>
    %dma_start3A_74 = arith.constant 0 : i32
    %dma_start3A_75 = tpu.memref_slice %arg7[%dma_start3A_74] : memref<1000000xf32, #tpu.memory_space<hbm>> -> memref<1000000xf32, #tpu.memory_space<hbm>>
    tpu.enqueue_indirect_dma source(%dma_start3A_75 : memref<1000000xf32, #tpu.memory_space<hbm>>) target(%dma_start3A_70 : memref<128xf32, #tpu.memory_space<vmem>>) offsets(%dma_start3A_73 : memref<128xi32, #tpu.memory_space<vmem>>) semaphore(%arg16 : memref<!tpu.dma_semaphore, #tpu.memory_space<semaphore_mem>>)
    %dma_start3A_76 = arith.constant 2 : i32
    %dma_start3A_77 = arith.constant 256 : i32
    %dma_start3A_78 = arith.constant 0 : i32
    %dma_start3A_79 = tpu.memref_slice %arg11[%dma_start3A_77, %dma_start3A_78] : memref<512x32xf32, #tpu.memory_space<vmem>> -> memref<128x32xf32, #tpu.memory_space<vmem>>
    %dma_start3A_80 = arith.constant 0 : i32
    %dma_start3A_81 = tpu.memref_slice %arg9[%dma_start3A_76, %dma_start3A_80] : memref<4x128xi32, #tpu.memory_space<vmem>> -> memref<1x128xi32, #tpu.memory_space<vmem>>
    %dma_start3A_82 = tpu.memref_squeeze %dma_start3A_81 : memref<1x128xi32, #tpu.memory_space<vmem>> -> memref<128xi32, #tpu.memory_space<vmem>>
    %dma_start3A_83 = arith.constant 0 : i32
    %dma_start3A_84 = arith.constant 0 : i32
    %dma_start3A_85 = tpu.memref_slice %arg4[%dma_start3A_83, %dma_start3A_84] : memref<1000000x32xf32, #tpu.memory_space<hbm>> -> memref<1000000x32xf32, #tpu.memory_space<hbm>>
    tpu.enqueue_indirect_dma source(%dma_start3A_85 : memref<1000000x32xf32, #tpu.memory_space<hbm>>) target(%dma_start3A_79 : memref<128x32xf32, #tpu.memory_space<vmem>>) offsets(%dma_start3A_82 : memref<128xi32, #tpu.memory_space<vmem>>) semaphore(%arg16 : memref<!tpu.dma_semaphore, #tpu.memory_space<semaphore_mem>>)
    %dma_start3A_86 = arith.constant 2 : i32
    %dma_start3A_87 = arith.constant 256 : i32
    %dma_start3A_88 = arith.constant 0 : i32
    %dma_start3A_89 = tpu.memref_slice %arg12[%dma_start3A_87, %dma_start3A_88] : memref<512x32xf32, #tpu.memory_space<vmem>> -> memref<128x32xf32, #tpu.memory_space<vmem>>
    %dma_start3A_90 = arith.constant 0 : i32
    %dma_start3A_91 = tpu.memref_slice %arg10[%dma_start3A_86, %dma_start3A_90] : memref<4x128xi32, #tpu.memory_space<vmem>> -> memref<1x128xi32, #tpu.memory_space<vmem>>
    %dma_start3A_92 = tpu.memref_squeeze %dma_start3A_91 : memref<1x128xi32, #tpu.memory_space<vmem>> -> memref<128xi32, #tpu.memory_space<vmem>>
    %dma_start3A_93 = arith.constant 0 : i32
    %dma_start3A_94 = arith.constant 0 : i32
    %dma_start3A_95 = tpu.memref_slice %arg5[%dma_start3A_93, %dma_start3A_94] : memref<1000000x32xf32, #tpu.memory_space<hbm>> -> memref<1000000x32xf32, #tpu.memory_space<hbm>>
    tpu.enqueue_indirect_dma source(%dma_start3A_95 : memref<1000000x32xf32, #tpu.memory_space<hbm>>) target(%dma_start3A_89 : memref<128x32xf32, #tpu.memory_space<vmem>>) offsets(%dma_start3A_92 : memref<128xi32, #tpu.memory_space<vmem>>) semaphore(%arg16 : memref<!tpu.dma_semaphore, #tpu.memory_space<semaphore_mem>>)
    %dma_start3A_96 = arith.constant 2 : i32
    %dma_start3A_97 = arith.constant 256 : i32
    %dma_start3A_98 = tpu.memref_slice %arg13[%dma_start3A_97] : memref<512xf32, #tpu.memory_space<vmem>> -> memref<128xf32, #tpu.memory_space<vmem>>
    %dma_start3A_99 = arith.constant 0 : i32
    %dma_start3A_100 = tpu.memref_slice %arg9[%dma_start3A_96, %dma_start3A_99] : memref<4x128xi32, #tpu.memory_space<vmem>> -> memref<1x128xi32, #tpu.memory_space<vmem>>
    %dma_start3A_101 = tpu.memref_squeeze %dma_start3A_100 : memref<1x128xi32, #tpu.memory_space<vmem>> -> memref<128xi32, #tpu.memory_space<vmem>>
    %dma_start3A_102 = arith.constant 0 : i32
    %dma_start3A_103 = tpu.memref_slice %arg6[%dma_start3A_102] : memref<1000000xf32, #tpu.memory_space<hbm>> -> memref<1000000xf32, #tpu.memory_space<hbm>>
    tpu.enqueue_indirect_dma source(%dma_start3A_103 : memref<1000000xf32, #tpu.memory_space<hbm>>) target(%dma_start3A_98 : memref<128xf32, #tpu.memory_space<vmem>>) offsets(%dma_start3A_101 : memref<128xi32, #tpu.memory_space<vmem>>) semaphore(%arg16 : memref<!tpu.dma_semaphore, #tpu.memory_space<semaphore_mem>>)
    %dma_start3A_104 = arith.constant 2 : i32
    %dma_start3A_105 = arith.constant 256 : i32
    %dma_start3A_106 = tpu.memref_slice %arg14[%dma_start3A_105] : memref<512xf32, #tpu.memory_space<vmem>> -> memref<128xf32, #tpu.memory_space<vmem>>
    %dma_start3A_107 = arith.constant 0 : i32
    %dma_start3A_108 = tpu.memref_slice %arg10[%dma_start3A_104, %dma_start3A_107] : memref<4x128xi32, #tpu.memory_space<vmem>> -> memref<1x128xi32, #tpu.memory_space<vmem>>
    %dma_start3A_109 = tpu.memref_squeeze %dma_start3A_108 : memref<1x128xi32, #tpu.memory_space<vmem>> -> memref<128xi32, #tpu.memory_space<vmem>>
    %dma_start3A_110 = arith.constant 0 : i32
    %dma_start3A_111 = tpu.memref_slice %arg7[%dma_start3A_110] : memref<1000000xf32, #tpu.memory_space<hbm>> -> memref<1000000xf32, #tpu.memory_space<hbm>>
    tpu.enqueue_indirect_dma source(%dma_start3A_111 : memref<1000000xf32, #tpu.memory_space<hbm>>) target(%dma_start3A_106 : memref<128xf32, #tpu.memory_space<vmem>>) offsets(%dma_start3A_109 : memref<128xi32, #tpu.memory_space<vmem>>) semaphore(%arg16 : memref<!tpu.dma_semaphore, #tpu.memory_space<semaphore_mem>>)
    %dma_start3A_112 = arith.constant 3 : i32
    %dma_start3A_113 = arith.constant 384 : i32
    %dma_start3A_114 = arith.constant 0 : i32
    %dma_start3A_115 = tpu.memref_slice %arg11[%dma_start3A_113, %dma_start3A_114] : memref<512x32xf32, #tpu.memory_space<vmem>> -> memref<128x32xf32, #tpu.memory_space<vmem>>
    %dma_start3A_116 = arith.constant 0 : i32
    %dma_start3A_117 = tpu.memref_slice %arg9[%dma_start3A_112, %dma_start3A_116] : memref<4x128xi32, #tpu.memory_space<vmem>> -> memref<1x128xi32, #tpu.memory_space<vmem>>
    %dma_start3A_118 = tpu.memref_squeeze %dma_start3A_117 : memref<1x128xi32, #tpu.memory_space<vmem>> -> memref<128xi32, #tpu.memory_space<vmem>>
    %dma_start3A_119 = arith.constant 0 : i32
    %dma_start3A_120 = arith.constant 0 : i32
    %dma_start3A_121 = tpu.memref_slice %arg4[%dma_start3A_119, %dma_start3A_120] : memref<1000000x32xf32, #tpu.memory_space<hbm>> -> memref<1000000x32xf32, #tpu.memory_space<hbm>>
    tpu.enqueue_indirect_dma source(%dma_start3A_121 : memref<1000000x32xf32, #tpu.memory_space<hbm>>) target(%dma_start3A_115 : memref<128x32xf32, #tpu.memory_space<vmem>>) offsets(%dma_start3A_118 : memref<128xi32, #tpu.memory_space<vmem>>) semaphore(%arg16 : memref<!tpu.dma_semaphore, #tpu.memory_space<semaphore_mem>>)
    %dma_start3A_122 = arith.constant 3 : i32
    %dma_start3A_123 = arith.constant 384 : i32
    %dma_start3A_124 = arith.constant 0 : i32
    %dma_start3A_125 = tpu.memref_slice %arg12[%dma_start3A_123, %dma_start3A_124] : memref<512x32xf32, #tpu.memory_space<vmem>> -> memref<128x32xf32, #tpu.memory_space<vmem>>
    %dma_start3A_126 = arith.constant 0 : i32
    %dma_start3A_127 = tpu.memref_slice %arg10[%dma_start3A_122, %dma_start3A_126] : memref<4x128xi32, #tpu.memory_space<vmem>> -> memref<1x128xi32, #tpu.memory_space<vmem>>
    %dma_start3A_128 = tpu.memref_squeeze %dma_start3A_127 : memref<1x128xi32, #tpu.memory_space<vmem>> -> memref<128xi32, #tpu.memory_space<vmem>>
    %dma_start3A_129 = arith.constant 0 : i32
    %dma_start3A_130 = arith.constant 0 : i32
    %dma_start3A_131 = tpu.memref_slice %arg5[%dma_start3A_129, %dma_start3A_130] : memref<1000000x32xf32, #tpu.memory_space<hbm>> -> memref<1000000x32xf32, #tpu.memory_space<hbm>>
    tpu.enqueue_indirect_dma source(%dma_start3A_131 : memref<1000000x32xf32, #tpu.memory_space<hbm>>) target(%dma_start3A_125 : memref<128x32xf32, #tpu.memory_space<vmem>>) offsets(%dma_start3A_128 : memref<128xi32, #tpu.memory_space<vmem>>) semaphore(%arg16 : memref<!tpu.dma_semaphore, #tpu.memory_space<semaphore_mem>>)
    %dma_start3A_132 = arith.constant 3 : i32
    %dma_start3A_133 = arith.constant 384 : i32
    %dma_start3A_134 = tpu.memref_slice %arg13[%dma_start3A_133] : memref<512xf32, #tpu.memory_space<vmem>> -> memref<128xf32, #tpu.memory_space<vmem>>
    %dma_start3A_135 = arith.constant 0 : i32
    %dma_start3A_136 = tpu.memref_slice %arg9[%dma_start3A_132, %dma_start3A_135] : memref<4x128xi32, #tpu.memory_space<vmem>> -> memref<1x128xi32, #tpu.memory_space<vmem>>
    %dma_start3A_137 = tpu.memref_squeeze %dma_start3A_136 : memref<1x128xi32, #tpu.memory_space<vmem>> -> memref<128xi32, #tpu.memory_space<vmem>>
    %dma_start3A_138 = arith.constant 0 : i32
    %dma_start3A_139 = tpu.memref_slice %arg6[%dma_start3A_138] : memref<1000000xf32, #tpu.memory_space<hbm>> -> memref<1000000xf32, #tpu.memory_space<hbm>>
    tpu.enqueue_indirect_dma source(%dma_start3A_139 : memref<1000000xf32, #tpu.memory_space<hbm>>) target(%dma_start3A_134 : memref<128xf32, #tpu.memory_space<vmem>>) offsets(%dma_start3A_137 : memref<128xi32, #tpu.memory_space<vmem>>) semaphore(%arg16 : memref<!tpu.dma_semaphore, #tpu.memory_space<semaphore_mem>>)
    %dma_start3A_140 = arith.constant 3 : i32
    %dma_start3A_141 = arith.constant 384 : i32
    %dma_start3A_142 = tpu.memref_slice %arg14[%dma_start3A_141] : memref<512xf32, #tpu.memory_space<vmem>> -> memref<128xf32, #tpu.memory_space<vmem>>
    %dma_start3A_143 = arith.constant 0 : i32
    %dma_start3A_144 = tpu.memref_slice %arg10[%dma_start3A_140, %dma_start3A_143] : memref<4x128xi32, #tpu.memory_space<vmem>> -> memref<1x128xi32, #tpu.memory_space<vmem>>
    %dma_start3A_145 = tpu.memref_squeeze %dma_start3A_144 : memref<1x128xi32, #tpu.memory_space<vmem>> -> memref<128xi32, #tpu.memory_space<vmem>>
    %dma_start3A_146 = arith.constant 0 : i32
    %dma_start3A_147 = tpu.memref_slice %arg7[%dma_start3A_146] : memref<1000000xf32, #tpu.memory_space<hbm>> -> memref<1000000xf32, #tpu.memory_space<hbm>>
    tpu.enqueue_indirect_dma source(%dma_start3A_147 : memref<1000000xf32, #tpu.memory_space<hbm>>) target(%dma_start3A_142 : memref<128xf32, #tpu.memory_space<vmem>>) offsets(%dma_start3A_145 : memref<128xi32, #tpu.memory_space<vmem>>) semaphore(%arg16 : memref<!tpu.dma_semaphore, #tpu.memory_space<semaphore_mem>>)
    %dma_wait3A = arith.constant 0 : i32
    %dma_wait3A_148 = arith.constant 0 : i32
    %dma_wait3A_149 = arith.constant 0 : i32
    %dma_wait3A_150 = tpu.memref_slice %arg11[%dma_wait3A_148, %dma_wait3A_149] : memref<512x32xf32, #tpu.memory_space<vmem>> -> memref<128x32xf32, #tpu.memory_space<vmem>>
    %dma_wait3A_151 = arith.constant 0 : i32
    %dma_wait3A_152 = tpu.memref_slice %arg9[%dma_wait3A, %dma_wait3A_151] : memref<4x128xi32, #tpu.memory_space<vmem>> -> memref<1x128xi32, #tpu.memory_space<vmem>>
    %dma_wait3A_153 = tpu.memref_squeeze %dma_wait3A_152 : memref<1x128xi32, #tpu.memory_space<vmem>> -> memref<128xi32, #tpu.memory_space<vmem>>
    %dma_wait3A_154 = arith.constant 0 : i32
    %dma_wait3A_155 = arith.constant 0 : i32
    %dma_wait3A_156 = tpu.memref_slice %arg4[%dma_wait3A_154, %dma_wait3A_155] : memref<1000000x32xf32, #tpu.memory_space<hbm>> -> memref<1000000x32xf32, #tpu.memory_space<hbm>>
    tpu.wait_indirect_dma semaphore(%arg16 : memref<!tpu.dma_semaphore, #tpu.memory_space<semaphore_mem>>) src(%dma_wait3A_156 : memref<1000000x32xf32, #tpu.memory_space<hbm>>) dst(%dma_wait3A_150 : memref<128x32xf32, #tpu.memory_space<vmem>>)
    %dma_wait3A_157 = arith.constant 0 : i32
    %dma_wait3A_158 = arith.constant 0 : i32
    %dma_wait3A_159 = arith.constant 0 : i32
    %dma_wait3A_160 = tpu.memref_slice %arg12[%dma_wait3A_158, %dma_wait3A_159] : memref<512x32xf32, #tpu.memory_space<vmem>> -> memref<128x32xf32, #tpu.memory_space<vmem>>
    %dma_wait3A_161 = arith.constant 0 : i32
    %dma_wait3A_162 = tpu.memref_slice %arg10[%dma_wait3A_157, %dma_wait3A_161] : memref<4x128xi32, #tpu.memory_space<vmem>> -> memref<1x128xi32, #tpu.memory_space<vmem>>
    %dma_wait3A_163 = tpu.memref_squeeze %dma_wait3A_162 : memref<1x128xi32, #tpu.memory_space<vmem>> -> memref<128xi32, #tpu.memory_space<vmem>>
    %dma_wait3A_164 = arith.constant 0 : i32
    %dma_wait3A_165 = arith.constant 0 : i32
    %dma_wait3A_166 = tpu.memref_slice %arg5[%dma_wait3A_164, %dma_wait3A_165] : memref<1000000x32xf32, #tpu.memory_space<hbm>> -> memref<1000000x32xf32, #tpu.memory_space<hbm>>
    tpu.wait_indirect_dma semaphore(%arg16 : memref<!tpu.dma_semaphore, #tpu.memory_space<semaphore_mem>>) src(%dma_wait3A_166 : memref<1000000x32xf32, #tpu.memory_space<hbm>>) dst(%dma_wait3A_160 : memref<128x32xf32, #tpu.memory_space<vmem>>)
    %dma_wait3A_167 = arith.constant 0 : i32
    %dma_wait3A_168 = arith.constant 0 : i32
    %dma_wait3A_169 = tpu.memref_slice %arg13[%dma_wait3A_168] : memref<512xf32, #tpu.memory_space<vmem>> -> memref<128xf32, #tpu.memory_space<vmem>>
    %dma_wait3A_170 = arith.constant 0 : i32
    %dma_wait3A_171 = tpu.memref_slice %arg9[%dma_wait3A_167, %dma_wait3A_170] : memref<4x128xi32, #tpu.memory_space<vmem>> -> memref<1x128xi32, #tpu.memory_space<vmem>>
    %dma_wait3A_172 = tpu.memref_squeeze %dma_wait3A_171 : memref<1x128xi32, #tpu.memory_space<vmem>> -> memref<128xi32, #tpu.memory_space<vmem>>
    %dma_wait3A_173 = arith.constant 0 : i32
    %dma_wait3A_174 = tpu.memref_slice %arg6[%dma_wait3A_173] : memref<1000000xf32, #tpu.memory_space<hbm>> -> memref<1000000xf32, #tpu.memory_space<hbm>>
    tpu.wait_indirect_dma semaphore(%arg16 : memref<!tpu.dma_semaphore, #tpu.memory_space<semaphore_mem>>) src(%dma_wait3A_174 : memref<1000000xf32, #tpu.memory_space<hbm>>) dst(%dma_wait3A_169 : memref<128xf32, #tpu.memory_space<vmem>>)
    %dma_wait3A_175 = arith.constant 0 : i32
    %dma_wait3A_176 = arith.constant 0 : i32
    %dma_wait3A_177 = tpu.memref_slice %arg14[%dma_wait3A_176] : memref<512xf32, #tpu.memory_space<vmem>> -> memref<128xf32, #tpu.memory_space<vmem>>
    %dma_wait3A_178 = arith.constant 0 : i32
    %dma_wait3A_179 = tpu.memref_slice %arg10[%dma_wait3A_175, %dma_wait3A_178] : memref<4x128xi32, #tpu.memory_space<vmem>> -> memref<1x128xi32, #tpu.memory_space<vmem>>
    %dma_wait3A_180 = tpu.memref_squeeze %dma_wait3A_179 : memref<1x128xi32, #tpu.memory_space<vmem>> -> memref<128xi32, #tpu.memory_space<vmem>>
    %dma_wait3A_181 = arith.constant 0 : i32
    %dma_wait3A_182 = tpu.memref_slice %arg7[%dma_wait3A_181] : memref<1000000xf32, #tpu.memory_space<hbm>> -> memref<1000000xf32, #tpu.memory_space<hbm>>
    tpu.wait_indirect_dma semaphore(%arg16 : memref<!tpu.dma_semaphore, #tpu.memory_space<semaphore_mem>>) src(%dma_wait3A_182 : memref<1000000xf32, #tpu.memory_space<hbm>>) dst(%dma_wait3A_177 : memref<128xf32, #tpu.memory_space<vmem>>)
    %dma_wait3A_183 = arith.constant 1 : i32
    %dma_wait3A_184 = arith.constant 128 : i32
    %dma_wait3A_185 = arith.constant 0 : i32
    %dma_wait3A_186 = tpu.memref_slice %arg11[%dma_wait3A_184, %dma_wait3A_185] : memref<512x32xf32, #tpu.memory_space<vmem>> -> memref<128x32xf32, #tpu.memory_space<vmem>>
    %dma_wait3A_187 = arith.constant 0 : i32
    %dma_wait3A_188 = tpu.memref_slice %arg9[%dma_wait3A_183, %dma_wait3A_187] : memref<4x128xi32, #tpu.memory_space<vmem>> -> memref<1x128xi32, #tpu.memory_space<vmem>>
    %dma_wait3A_189 = tpu.memref_squeeze %dma_wait3A_188 : memref<1x128xi32, #tpu.memory_space<vmem>> -> memref<128xi32, #tpu.memory_space<vmem>>
    %dma_wait3A_190 = arith.constant 0 : i32
    %dma_wait3A_191 = arith.constant 0 : i32
    %dma_wait3A_192 = tpu.memref_slice %arg4[%dma_wait3A_190, %dma_wait3A_191] : memref<1000000x32xf32, #tpu.memory_space<hbm>> -> memref<1000000x32xf32, #tpu.memory_space<hbm>>
    tpu.wait_indirect_dma semaphore(%arg16 : memref<!tpu.dma_semaphore, #tpu.memory_space<semaphore_mem>>) src(%dma_wait3A_192 : memref<1000000x32xf32, #tpu.memory_space<hbm>>) dst(%dma_wait3A_186 : memref<128x32xf32, #tpu.memory_space<vmem>>)
    %dma_wait3A_193 = arith.constant 1 : i32
    %dma_wait3A_194 = arith.constant 128 : i32
    %dma_wait3A_195 = arith.constant 0 : i32
    %dma_wait3A_196 = tpu.memref_slice %arg12[%dma_wait3A_194, %dma_wait3A_195] : memref<512x32xf32, #tpu.memory_space<vmem>> -> memref<128x32xf32, #tpu.memory_space<vmem>>
    %dma_wait3A_197 = arith.constant 0 : i32
    %dma_wait3A_198 = tpu.memref_slice %arg10[%dma_wait3A_193, %dma_wait3A_197] : memref<4x128xi32, #tpu.memory_space<vmem>> -> memref<1x128xi32, #tpu.memory_space<vmem>>
    %dma_wait3A_199 = tpu.memref_squeeze %dma_wait3A_198 : memref<1x128xi32, #tpu.memory_space<vmem>> -> memref<128xi32, #tpu.memory_space<vmem>>
    %dma_wait3A_200 = arith.constant 0 : i32
    %dma_wait3A_201 = arith.constant 0 : i32
    %dma_wait3A_202 = tpu.memref_slice %arg5[%dma_wait3A_200, %dma_wait3A_201] : memref<1000000x32xf32, #tpu.memory_space<hbm>> -> memref<1000000x32xf32, #tpu.memory_space<hbm>>
    tpu.wait_indirect_dma semaphore(%arg16 : memref<!tpu.dma_semaphore, #tpu.memory_space<semaphore_mem>>) src(%dma_wait3A_202 : memref<1000000x32xf32, #tpu.memory_space<hbm>>) dst(%dma_wait3A_196 : memref<128x32xf32, #tpu.memory_space<vmem>>)
    %dma_wait3A_203 = arith.constant 1 : i32
    %dma_wait3A_204 = arith.constant 128 : i32
    %dma_wait3A_205 = tpu.memref_slice %arg13[%dma_wait3A_204] : memref<512xf32, #tpu.memory_space<vmem>> -> memref<128xf32, #tpu.memory_space<vmem>>
    %dma_wait3A_206 = arith.constant 0 : i32
    %dma_wait3A_207 = tpu.memref_slice %arg9[%dma_wait3A_203, %dma_wait3A_206] : memref<4x128xi32, #tpu.memory_space<vmem>> -> memref<1x128xi32, #tpu.memory_space<vmem>>
    %dma_wait3A_208 = tpu.memref_squeeze %dma_wait3A_207 : memref<1x128xi32, #tpu.memory_space<vmem>> -> memref<128xi32, #tpu.memory_space<vmem>>
    %dma_wait3A_209 = arith.constant 0 : i32
    %dma_wait3A_210 = tpu.memref_slice %arg6[%dma_wait3A_209] : memref<1000000xf32, #tpu.memory_space<hbm>> -> memref<1000000xf32, #tpu.memory_space<hbm>>
    tpu.wait_indirect_dma semaphore(%arg16 : memref<!tpu.dma_semaphore, #tpu.memory_space<semaphore_mem>>) src(%dma_wait3A_210 : memref<1000000xf32, #tpu.memory_space<hbm>>) dst(%dma_wait3A_205 : memref<128xf32, #tpu.memory_space<vmem>>)
    %dma_wait3A_211 = arith.constant 1 : i32
    %dma_wait3A_212 = arith.constant 128 : i32
    %dma_wait3A_213 = tpu.memref_slice %arg14[%dma_wait3A_212] : memref<512xf32, #tpu.memory_space<vmem>> -> memref<128xf32, #tpu.memory_space<vmem>>
    %dma_wait3A_214 = arith.constant 0 : i32
    %dma_wait3A_215 = tpu.memref_slice %arg10[%dma_wait3A_211, %dma_wait3A_214] : memref<4x128xi32, #tpu.memory_space<vmem>> -> memref<1x128xi32, #tpu.memory_space<vmem>>
    %dma_wait3A_216 = tpu.memref_squeeze %dma_wait3A_215 : memref<1x128xi32, #tpu.memory_space<vmem>> -> memref<128xi32, #tpu.memory_space<vmem>>
    %dma_wait3A_217 = arith.constant 0 : i32
    %dma_wait3A_218 = tpu.memref_slice %arg7[%dma_wait3A_217] : memref<1000000xf32, #tpu.memory_space<hbm>> -> memref<1000000xf32, #tpu.memory_space<hbm>>
    tpu.wait_indirect_dma semaphore(%arg16 : memref<!tpu.dma_semaphore, #tpu.memory_space<semaphore_mem>>) src(%dma_wait3A_218 : memref<1000000xf32, #tpu.memory_space<hbm>>) dst(%dma_wait3A_213 : memref<128xf32, #tpu.memory_space<vmem>>)
    %dma_wait3A_219 = arith.constant 2 : i32
    %dma_wait3A_220 = arith.constant 256 : i32
    %dma_wait3A_221 = arith.constant 0 : i32
    %dma_wait3A_222 = tpu.memref_slice %arg11[%dma_wait3A_220, %dma_wait3A_221] : memref<512x32xf32, #tpu.memory_space<vmem>> -> memref<128x32xf32, #tpu.memory_space<vmem>>
    %dma_wait3A_223 = arith.constant 0 : i32
    %dma_wait3A_224 = tpu.memref_slice %arg9[%dma_wait3A_219, %dma_wait3A_223] : memref<4x128xi32, #tpu.memory_space<vmem>> -> memref<1x128xi32, #tpu.memory_space<vmem>>
    %dma_wait3A_225 = tpu.memref_squeeze %dma_wait3A_224 : memref<1x128xi32, #tpu.memory_space<vmem>> -> memref<128xi32, #tpu.memory_space<vmem>>
    %dma_wait3A_226 = arith.constant 0 : i32
    %dma_wait3A_227 = arith.constant 0 : i32
    %dma_wait3A_228 = tpu.memref_slice %arg4[%dma_wait3A_226, %dma_wait3A_227] : memref<1000000x32xf32, #tpu.memory_space<hbm>> -> memref<1000000x32xf32, #tpu.memory_space<hbm>>
    tpu.wait_indirect_dma semaphore(%arg16 : memref<!tpu.dma_semaphore, #tpu.memory_space<semaphore_mem>>) src(%dma_wait3A_228 : memref<1000000x32xf32, #tpu.memory_space<hbm>>) dst(%dma_wait3A_222 : memref<128x32xf32, #tpu.memory_space<vmem>>)
    %dma_wait3A_229 = arith.constant 2 : i32
    %dma_wait3A_230 = arith.constant 256 : i32
    %dma_wait3A_231 = arith.constant 0 : i32
    %dma_wait3A_232 = tpu.memref_slice %arg12[%dma_wait3A_230, %dma_wait3A_231] : memref<512x32xf32, #tpu.memory_space<vmem>> -> memref<128x32xf32, #tpu.memory_space<vmem>>
    %dma_wait3A_233 = arith.constant 0 : i32
    %dma_wait3A_234 = tpu.memref_slice %arg10[%dma_wait3A_229, %dma_wait3A_233] : memref<4x128xi32, #tpu.memory_space<vmem>> -> memref<1x128xi32, #tpu.memory_space<vmem>>
    %dma_wait3A_235 = tpu.memref_squeeze %dma_wait3A_234 : memref<1x128xi32, #tpu.memory_space<vmem>> -> memref<128xi32, #tpu.memory_space<vmem>>
    %dma_wait3A_236 = arith.constant 0 : i32
    %dma_wait3A_237 = arith.constant 0 : i32
    %dma_wait3A_238 = tpu.memref_slice %arg5[%dma_wait3A_236, %dma_wait3A_237] : memref<1000000x32xf32, #tpu.memory_space<hbm>> -> memref<1000000x32xf32, #tpu.memory_space<hbm>>
    tpu.wait_indirect_dma semaphore(%arg16 : memref<!tpu.dma_semaphore, #tpu.memory_space<semaphore_mem>>) src(%dma_wait3A_238 : memref<1000000x32xf32, #tpu.memory_space<hbm>>) dst(%dma_wait3A_232 : memref<128x32xf32, #tpu.memory_space<vmem>>)
    %dma_wait3A_239 = arith.constant 2 : i32
    %dma_wait3A_240 = arith.constant 256 : i32
    %dma_wait3A_241 = tpu.memref_slice %arg13[%dma_wait3A_240] : memref<512xf32, #tpu.memory_space<vmem>> -> memref<128xf32, #tpu.memory_space<vmem>>
    %dma_wait3A_242 = arith.constant 0 : i32
    %dma_wait3A_243 = tpu.memref_slice %arg9[%dma_wait3A_239, %dma_wait3A_242] : memref<4x128xi32, #tpu.memory_space<vmem>> -> memref<1x128xi32, #tpu.memory_space<vmem>>
    %dma_wait3A_244 = tpu.memref_squeeze %dma_wait3A_243 : memref<1x128xi32, #tpu.memory_space<vmem>> -> memref<128xi32, #tpu.memory_space<vmem>>
    %dma_wait3A_245 = arith.constant 0 : i32
    %dma_wait3A_246 = tpu.memref_slice %arg6[%dma_wait3A_245] : memref<1000000xf32, #tpu.memory_space<hbm>> -> memref<1000000xf32, #tpu.memory_space<hbm>>
    tpu.wait_indirect_dma semaphore(%arg16 : memref<!tpu.dma_semaphore, #tpu.memory_space<semaphore_mem>>) src(%dma_wait3A_246 : memref<1000000xf32, #tpu.memory_space<hbm>>) dst(%dma_wait3A_241 : memref<128xf32, #tpu.memory_space<vmem>>)
    %dma_wait3A_247 = arith.constant 2 : i32
    %dma_wait3A_248 = arith.constant 256 : i32
    %dma_wait3A_249 = tpu.memref_slice %arg14[%dma_wait3A_248] : memref<512xf32, #tpu.memory_space<vmem>> -> memref<128xf32, #tpu.memory_space<vmem>>
    %dma_wait3A_250 = arith.constant 0 : i32
    %dma_wait3A_251 = tpu.memref_slice %arg10[%dma_wait3A_247, %dma_wait3A_250] : memref<4x128xi32, #tpu.memory_space<vmem>> -> memref<1x128xi32, #tpu.memory_space<vmem>>
    %dma_wait3A_252 = tpu.memref_squeeze %dma_wait3A_251 : memref<1x128xi32, #tpu.memory_space<vmem>> -> memref<128xi32, #tpu.memory_space<vmem>>
    %dma_wait3A_253 = arith.constant 0 : i32
    %dma_wait3A_254 = tpu.memref_slice %arg7[%dma_wait3A_253] : memref<1000000xf32, #tpu.memory_space<hbm>> -> memref<1000000xf32, #tpu.memory_space<hbm>>
    tpu.wait_indirect_dma semaphore(%arg16 : memref<!tpu.dma_semaphore, #tpu.memory_space<semaphore_mem>>) src(%dma_wait3A_254 : memref<1000000xf32, #tpu.memory_space<hbm>>) dst(%dma_wait3A_249 : memref<128xf32, #tpu.memory_space<vmem>>)
    %dma_wait3A_255 = arith.constant 3 : i32
    %dma_wait3A_256 = arith.constant 384 : i32
    %dma_wait3A_257 = arith.constant 0 : i32
    %dma_wait3A_258 = tpu.memref_slice %arg11[%dma_wait3A_256, %dma_wait3A_257] : memref<512x32xf32, #tpu.memory_space<vmem>> -> memref<128x32xf32, #tpu.memory_space<vmem>>
    %dma_wait3A_259 = arith.constant 0 : i32
    %dma_wait3A_260 = tpu.memref_slice %arg9[%dma_wait3A_255, %dma_wait3A_259] : memref<4x128xi32, #tpu.memory_space<vmem>> -> memref<1x128xi32, #tpu.memory_space<vmem>>
    %dma_wait3A_261 = tpu.memref_squeeze %dma_wait3A_260 : memref<1x128xi32, #tpu.memory_space<vmem>> -> memref<128xi32, #tpu.memory_space<vmem>>
    %dma_wait3A_262 = arith.constant 0 : i32
    %dma_wait3A_263 = arith.constant 0 : i32
    %dma_wait3A_264 = tpu.memref_slice %arg4[%dma_wait3A_262, %dma_wait3A_263] : memref<1000000x32xf32, #tpu.memory_space<hbm>> -> memref<1000000x32xf32, #tpu.memory_space<hbm>>
    tpu.wait_indirect_dma semaphore(%arg16 : memref<!tpu.dma_semaphore, #tpu.memory_space<semaphore_mem>>) src(%dma_wait3A_264 : memref<1000000x32xf32, #tpu.memory_space<hbm>>) dst(%dma_wait3A_258 : memref<128x32xf32, #tpu.memory_space<vmem>>)
    %dma_wait3A_265 = arith.constant 3 : i32
    %dma_wait3A_266 = arith.constant 384 : i32
    %dma_wait3A_267 = arith.constant 0 : i32
    %dma_wait3A_268 = tpu.memref_slice %arg12[%dma_wait3A_266, %dma_wait3A_267] : memref<512x32xf32, #tpu.memory_space<vmem>> -> memref<128x32xf32, #tpu.memory_space<vmem>>
    %dma_wait3A_269 = arith.constant 0 : i32
    %dma_wait3A_270 = tpu.memref_slice %arg10[%dma_wait3A_265, %dma_wait3A_269] : memref<4x128xi32, #tpu.memory_space<vmem>> -> memref<1x128xi32, #tpu.memory_space<vmem>>
    %dma_wait3A_271 = tpu.memref_squeeze %dma_wait3A_270 : memref<1x128xi32, #tpu.memory_space<vmem>> -> memref<128xi32, #tpu.memory_space<vmem>>
    %dma_wait3A_272 = arith.constant 0 : i32
    %dma_wait3A_273 = arith.constant 0 : i32
    %dma_wait3A_274 = tpu.memref_slice %arg5[%dma_wait3A_272, %dma_wait3A_273] : memref<1000000x32xf32, #tpu.memory_space<hbm>> -> memref<1000000x32xf32, #tpu.memory_space<hbm>>
    tpu.wait_indirect_dma semaphore(%arg16 : memref<!tpu.dma_semaphore, #tpu.memory_space<semaphore_mem>>) src(%dma_wait3A_274 : memref<1000000x32xf32, #tpu.memory_space<hbm>>) dst(%dma_wait3A_268 : memref<128x32xf32, #tpu.memory_space<vmem>>)
    %dma_wait3A_275 = arith.constant 3 : i32
    %dma_wait3A_276 = arith.constant 384 : i32
    %dma_wait3A_277 = tpu.memref_slice %arg13[%dma_wait3A_276] : memref<512xf32, #tpu.memory_space<vmem>> -> memref<128xf32, #tpu.memory_space<vmem>>
    %dma_wait3A_278 = arith.constant 0 : i32
    %dma_wait3A_279 = tpu.memref_slice %arg9[%dma_wait3A_275, %dma_wait3A_278] : memref<4x128xi32, #tpu.memory_space<vmem>> -> memref<1x128xi32, #tpu.memory_space<vmem>>
    %dma_wait3A_280 = tpu.memref_squeeze %dma_wait3A_279 : memref<1x128xi32, #tpu.memory_space<vmem>> -> memref<128xi32, #tpu.memory_space<vmem>>
    %dma_wait3A_281 = arith.constant 0 : i32
    %dma_wait3A_282 = tpu.memref_slice %arg6[%dma_wait3A_281] : memref<1000000xf32, #tpu.memory_space<hbm>> -> memref<1000000xf32, #tpu.memory_space<hbm>>
    tpu.wait_indirect_dma semaphore(%arg16 : memref<!tpu.dma_semaphore, #tpu.memory_space<semaphore_mem>>) src(%dma_wait3A_282 : memref<1000000xf32, #tpu.memory_space<hbm>>) dst(%dma_wait3A_277 : memref<128xf32, #tpu.memory_space<vmem>>)
    %dma_wait3A_283 = arith.constant 3 : i32
    %dma_wait3A_284 = arith.constant 384 : i32
    %dma_wait3A_285 = tpu.memref_slice %arg14[%dma_wait3A_284] : memref<512xf32, #tpu.memory_space<vmem>> -> memref<128xf32, #tpu.memory_space<vmem>>
    %dma_wait3A_286 = arith.constant 0 : i32
    %dma_wait3A_287 = tpu.memref_slice %arg10[%dma_wait3A_283, %dma_wait3A_286] : memref<4x128xi32, #tpu.memory_space<vmem>> -> memref<1x128xi32, #tpu.memory_space<vmem>>
    %dma_wait3A_288 = tpu.memref_squeeze %dma_wait3A_287 : memref<1x128xi32, #tpu.memory_space<vmem>> -> memref<128xi32, #tpu.memory_space<vmem>>
    %dma_wait3A_289 = arith.constant 0 : i32
    %dma_wait3A_290 = tpu.memref_slice %arg7[%dma_wait3A_289] : memref<1000000xf32, #tpu.memory_space<hbm>> -> memref<1000000xf32, #tpu.memory_space<hbm>>
    tpu.wait_indirect_dma semaphore(%arg16 : memref<!tpu.dma_semaphore, #tpu.memory_space<semaphore_mem>>) src(%dma_wait3A_290 : memref<1000000xf32, #tpu.memory_space<hbm>>) dst(%dma_wait3A_285 : memref<128xf32, #tpu.memory_space<vmem>>)
    %iota3A = tpu.iota {dimensions = array<i32: 0>} : vector<16xi32>
    %scan3A = arith.constant 0 : i32
    %scan3A_291 = arith.constant 0 : i32
    %scan3A_292 = arith.constant 32 : i32
    %scan3A_293 = arith.addi %scan3A_291, %scan3A_292 : i32
    %scan3A_294 = arith.constant 1 : i32
    scf.for %scan3A_296 = %scan3A_291 to %scan3A_293 step %scan3A_294  : i32 {
      %broadcast_in_dim3A = arith.constant 0.000000e+00 : f32
      %broadcast_in_dim3A_297 = vector.broadcast %broadcast_in_dim3A : f32 to vector<16xf32>
      %mul3A_298 = arith.constant 16 : i32
      %mul3A_299 = arith.muli %scan3A_296, %mul3A_298 : i32
      %add3A_300 = arith.constant 0 : i32
      %add3A_301 = arith.addi %mul3A_299, %add3A_300 : i32
      %get3A = arith.index_cast %add3A_301 : i32 to index
      %get3A_302 = arith.constant 0 : index
      %get3A_303 = tpu.vector_load %arg11[%get3A, %get3A_302] {strides = array<i32>} : memref<512x32xf32, #tpu.memory_space<vmem>>, vector<16xf32>,
      %get3A_304 = arith.index_cast %add3A_301 : i32 to index
      %get3A_305 = arith.constant 16 : index
      %get3A_306 = tpu.vector_load %arg11[%get3A_304, %get3A_305] {strides = array<i32>} : memref<512x32xf32, #tpu.memory_space<vmem>>, vector<16xf32>,
      %get3A_307 = arith.index_cast %add3A_301 : i32 to index
      %get3A_308 = arith.constant 0 : index
      %get3A_309 = tpu.vector_load %arg12[%get3A_307, %get3A_308] {strides = array<i32>} : memref<512x32xf32, #tpu.memory_space<vmem>>, vector<16xf32>,
      %get3A_310 = arith.index_cast %add3A_301 : i32 to index
      %get3A_311 = arith.constant 16 : index
      %get3A_312 = tpu.vector_load %arg12[%get3A_310, %get3A_311] {strides = array<i32>} : memref<512x32xf32, #tpu.memory_space<vmem>>, vector<16xf32>,
      %mul3A_313 = arith.mulf %get3A_303, %get3A_309 : vector<16xf32>
      %mul3A_314 = arith.mulf %get3A_306, %get3A_312 : vector<16xf32>
      %add3A_315 = arith.addf %mul3A_313, %mul3A_314 : vector<16xf32>
      %reduce_sum3A = arith.constant true
      %reduce_sum3A_316 = vector.broadcast %reduce_sum3A : i1 to vector<16xi1>
      %reduce_sum3A_317 = tpu.scan <sum>, %add3A_315 masked %reduce_sum3A_316 : vector<16xf32>, vector<16xi1> -> vector<16xf32>
      %reduce_sum3A_318 = vector.extract %reduce_sum3A_317[15] : f32 from vector<16xf32>
      %eq3A = arith.constant 0 : i32
      %eq3A_319 = vector.broadcast %eq3A : i32 to vector<16xi32>
      %eq3A_320 = arith.cmpi eq, %iota3A, %eq3A_319 : vector<16xi32>
      %broadcast_in_dim3A_321 = vector.broadcast %reduce_sum3A_318 : f32 to vector<16xf32>
      %select_n3A = arith.select %eq3A_320, %broadcast_in_dim3A_321, %broadcast_in_dim3A_297 : vector<16xi1>, vector<16xf32>
      %mul3A_322 = arith.constant 16 : i32
      %mul3A_323 = arith.muli %scan3A_296, %mul3A_322 : i32
      %add3A_324 = arith.constant 1 : i32
      %add3A_325 = arith.addi %mul3A_323, %add3A_324 : i32
      %get3A_326 = arith.index_cast %add3A_325 : i32 to index
      %get3A_327 = arith.constant 0 : index
      %get3A_328 = tpu.vector_load %arg11[%get3A_326, %get3A_327] {strides = array<i32>} : memref<512x32xf32, #tpu.memory_space<vmem>>, vector<16xf32>,
      %get3A_329 = arith.index_cast %add3A_325 : i32 to index
      %get3A_330 = arith.constant 16 : index
      %get3A_331 = tpu.vector_load %arg11[%get3A_329, %get3A_330] {strides = array<i32>} : memref<512x32xf32, #tpu.memory_space<vmem>>, vector<16xf32>,
      %get3A_332 = arith.index_cast %add3A_325 : i32 to index
      %get3A_333 = arith.constant 0 : index
      %get3A_334 = tpu.vector_load %arg12[%get3A_332, %get3A_333] {strides = array<i32>} : memref<512x32xf32, #tpu.memory_space<vmem>>, vector<16xf32>,
      %get3A_335 = arith.index_cast %add3A_325 : i32 to index
      %get3A_336 = arith.constant 16 : index
      %get3A_337 = tpu.vector_load %arg12[%get3A_335, %get3A_336] {strides = array<i32>} : memref<512x32xf32, #tpu.memory_space<vmem>>, vector<16xf32>,
      %mul3A_338 = arith.mulf %get3A_328, %get3A_334 : vector<16xf32>
      %mul3A_339 = arith.mulf %get3A_331, %get3A_337 : vector<16xf32>
      %add3A_340 = arith.addf %mul3A_338, %mul3A_339 : vector<16xf32>
      %reduce_sum3A_341 = arith.constant true
      %reduce_sum3A_342 = vector.broadcast %reduce_sum3A_341 : i1 to vector<16xi1>
      %reduce_sum3A_343 = tpu.scan <sum>, %add3A_340 masked %reduce_sum3A_342 : vector<16xf32>, vector<16xi1> -> vector<16xf32>
      %reduce_sum3A_344 = vector.extract %reduce_sum3A_343[15] : f32 from vector<16xf32>
      %eq3A_345 = arith.constant 1 : i32
      %eq3A_346 = vector.broadcast %eq3A_345 : i32 to vector<16xi32>
      %eq3A_347 = arith.cmpi eq, %iota3A, %eq3A_346 : vector<16xi32>
      %broadcast_in_dim3A_348 = vector.broadcast %reduce_sum3A_344 : f32 to vector<16xf32>
      %select_n3A_349 = arith.select %eq3A_347, %broadcast_in_dim3A_348, %select_n3A : vector<16xi1>, vector<16xf32>
      %mul3A_350 = arith.constant 16 : i32
      %mul3A_351 = arith.muli %scan3A_296, %mul3A_350 : i32
      %add3A_352 = arith.constant 2 : i32
      %add3A_353 = arith.addi %mul3A_351, %add3A_352 : i32
      %get3A_354 = arith.index_cast %add3A_353 : i32 to index
      %get3A_355 = arith.constant 0 : index
      %get3A_356 = tpu.vector_load %arg11[%get3A_354, %get3A_355] {strides = array<i32>} : memref<512x32xf32, #tpu.memory_space<vmem>>, vector<16xf32>,
      %get3A_357 = arith.index_cast %add3A_353 : i32 to index
      %get3A_358 = arith.constant 16 : index
      %get3A_359 = tpu.vector_load %arg11[%get3A_357, %get3A_358] {strides = array<i32>} : memref<512x32xf32, #tpu.memory_space<vmem>>, vector<16xf32>,
      %get3A_360 = arith.index_cast %add3A_353 : i32 to index
      %get3A_361 = arith.constant 0 : index
      %get3A_362 = tpu.vector_load %arg12[%get3A_360, %get3A_361] {strides = array<i32>} : memref<512x32xf32, #tpu.memory_space<vmem>>, vector<16xf32>,
      %get3A_363 = arith.index_cast %add3A_353 : i32 to index
      %get3A_364 = arith.constant 16 : index
      %get3A_365 = tpu.vector_load %arg12[%get3A_363, %get3A_364] {strides = array<i32>} : memref<512x32xf32, #tpu.memory_space<vmem>>, vector<16xf32>,
      %mul3A_366 = arith.mulf %get3A_356, %get3A_362 : vector<16xf32>
      %mul3A_367 = arith.mulf %get3A_359, %get3A_365 : vector<16xf32>
      %add3A_368 = arith.addf %mul3A_366, %mul3A_367 : vector<16xf32>
      %reduce_sum3A_369 = arith.constant true
      %reduce_sum3A_370 = vector.broadcast %reduce_sum3A_369 : i1 to vector<16xi1>
      %reduce_sum3A_371 = tpu.scan <sum>, %add3A_368 masked %reduce_sum3A_370 : vector<16xf32>, vector<16xi1> -> vector<16xf32>
      %reduce_sum3A_372 = vector.extract %reduce_sum3A_371[15] : f32 from vector<16xf32>
      %eq3A_373 = arith.constant 2 : i32
      %eq3A_374 = vector.broadcast %eq3A_373 : i32 to vector<16xi32>
      %eq3A_375 = arith.cmpi eq, %iota3A, %eq3A_374 : vector<16xi32>
      %broadcast_in_dim3A_376 = vector.broadcast %reduce_sum3A_372 : f32 to vector<16xf32>
      %select_n3A_377 = arith.select %eq3A_375, %broadcast_in_dim3A_376, %select_n3A_349 : vector<16xi1>, vector<16xf32>
      %mul3A_378 = arith.constant 16 : i32
      %mul3A_379 = arith.muli %scan3A_296, %mul3A_378 : i32
      %add3A_380 = arith.constant 3 : i32
      %add3A_381 = arith.addi %mul3A_379, %add3A_380 : i32
      %get3A_382 = arith.index_cast %add3A_381 : i32 to index
      %get3A_383 = arith.constant 0 : index
      %get3A_384 = tpu.vector_load %arg11[%get3A_382, %get3A_383] {strides = array<i32>} : memref<512x32xf32, #tpu.memory_space<vmem>>, vector<16xf32>,
      %get3A_385 = arith.index_cast %add3A_381 : i32 to index
      %get3A_386 = arith.constant 16 : index
      %get3A_387 = tpu.vector_load %arg11[%get3A_385, %get3A_386] {strides = array<i32>} : memref<512x32xf32, #tpu.memory_space<vmem>>, vector<16xf32>,
      %get3A_388 = arith.index_cast %add3A_381 : i32 to index
      %get3A_389 = arith.constant 0 : index
      %get3A_390 = tpu.vector_load %arg12[%get3A_388, %get3A_389] {strides = array<i32>} : memref<512x32xf32, #tpu.memory_space<vmem>>, vector<16xf32>,
      %get3A_391 = arith.index_cast %add3A_381 : i32 to index
      %get3A_392 = arith.constant 16 : index
      %get3A_393 = tpu.vector_load %arg12[%get3A_391, %get3A_392] {strides = array<i32>} : memref<512x32xf32, #tpu.memory_space<vmem>>, vector<16xf32>,
      %mul3A_394 = arith.mulf %get3A_384, %get3A_390 : vector<16xf32>
      %mul3A_395 = arith.mulf %get3A_387, %get3A_393 : vector<16xf32>
      %add3A_396 = arith.addf %mul3A_394, %mul3A_395 : vector<16xf32>
      %reduce_sum3A_397 = arith.constant true
      %reduce_sum3A_398 = vector.broadcast %reduce_sum3A_397 : i1 to vector<16xi1>
      %reduce_sum3A_399 = tpu.scan <sum>, %add3A_396 masked %reduce_sum3A_398 : vector<16xf32>, vector<16xi1> -> vector<16xf32>
      %reduce_sum3A_400 = vector.extract %reduce_sum3A_399[15] : f32 from vector<16xf32>
      %eq3A_401 = arith.constant 3 : i32
      %eq3A_402 = vector.broadcast %eq3A_401 : i32 to vector<16xi32>
      %eq3A_403 = arith.cmpi eq, %iota3A, %eq3A_402 : vector<16xi32>
      %broadcast_in_dim3A_404 = vector.broadcast %reduce_sum3A_400 : f32 to vector<16xf32>
      %select_n3A_405 = arith.select %eq3A_403, %broadcast_in_dim3A_404, %select_n3A_377 : vector<16xi1>, vector<16xf32>
      %mul3A_406 = arith.constant 16 : i32
      %mul3A_407 = arith.muli %scan3A_296, %mul3A_406 : i32
      %add3A_408 = arith.constant 4 : i32
      %add3A_409 = arith.addi %mul3A_407, %add3A_408 : i32
      %get3A_410 = arith.index_cast %add3A_409 : i32 to index
      %get3A_411 = arith.constant 0 : index
      %get3A_412 = tpu.vector_load %arg11[%get3A_410, %get3A_411] {strides = array<i32>} : memref<512x32xf32, #tpu.memory_space<vmem>>, vector<16xf32>,
      %get3A_413 = arith.index_cast %add3A_409 : i32 to index
      %get3A_414 = arith.constant 16 : index
      %get3A_415 = tpu.vector_load %arg11[%get3A_413, %get3A_414] {strides = array<i32>} : memref<512x32xf32, #tpu.memory_space<vmem>>, vector<16xf32>,
      %get3A_416 = arith.index_cast %add3A_409 : i32 to index
      %get3A_417 = arith.constant 0 : index
      %get3A_418 = tpu.vector_load %arg12[%get3A_416, %get3A_417] {strides = array<i32>} : memref<512x32xf32, #tpu.memory_space<vmem>>, vector<16xf32>,
      %get3A_419 = arith.index_cast %add3A_409 : i32 to index
      %get3A_420 = arith.constant 16 : index
      %get3A_421 = tpu.vector_load %arg12[%get3A_419, %get3A_420] {strides = array<i32>} : memref<512x32xf32, #tpu.memory_space<vmem>>, vector<16xf32>,
      %mul3A_422 = arith.mulf %get3A_412, %get3A_418 : vector<16xf32>
      %mul3A_423 = arith.mulf %get3A_415, %get3A_421 : vector<16xf32>
      %add3A_424 = arith.addf %mul3A_422, %mul3A_423 : vector<16xf32>
      %reduce_sum3A_425 = arith.constant true
      %reduce_sum3A_426 = vector.broadcast %reduce_sum3A_425 : i1 to vector<16xi1>
      %reduce_sum3A_427 = tpu.scan <sum>, %add3A_424 masked %reduce_sum3A_426 : vector<16xf32>, vector<16xi1> -> vector<16xf32>
      %reduce_sum3A_428 = vector.extract %reduce_sum3A_427[15] : f32 from vector<16xf32>
      %eq3A_429 = arith.constant 4 : i32
      %eq3A_430 = vector.broadcast %eq3A_429 : i32 to vector<16xi32>
      %eq3A_431 = arith.cmpi eq, %iota3A, %eq3A_430 : vector<16xi32>
      %broadcast_in_dim3A_432 = vector.broadcast %reduce_sum3A_428 : f32 to vector<16xf32>
      %select_n3A_433 = arith.select %eq3A_431, %broadcast_in_dim3A_432, %select_n3A_405 : vector<16xi1>, vector<16xf32>
      %mul3A_434 = arith.constant 16 : i32
      %mul3A_435 = arith.muli %scan3A_296, %mul3A_434 : i32
      %add3A_436 = arith.constant 5 : i32
      %add3A_437 = arith.addi %mul3A_435, %add3A_436 : i32
      %get3A_438 = arith.index_cast %add3A_437 : i32 to index
      %get3A_439 = arith.constant 0 : index
      %get3A_440 = tpu.vector_load %arg11[%get3A_438, %get3A_439] {strides = array<i32>} : memref<512x32xf32, #tpu.memory_space<vmem>>, vector<16xf32>,
      %get3A_441 = arith.index_cast %add3A_437 : i32 to index
      %get3A_442 = arith.constant 16 : index
      %get3A_443 = tpu.vector_load %arg11[%get3A_441, %get3A_442] {strides = array<i32>} : memref<512x32xf32, #tpu.memory_space<vmem>>, vector<16xf32>,
      %get3A_444 = arith.index_cast %add3A_437 : i32 to index
      %get3A_445 = arith.constant 0 : index
      %get3A_446 = tpu.vector_load %arg12[%get3A_444, %get3A_445] {strides = array<i32>} : memref<512x32xf32, #tpu.memory_space<vmem>>, vector<16xf32>,
      %get3A_447 = arith.index_cast %add3A_437 : i32 to index
      %get3A_448 = arith.constant 16 : index
      %get3A_449 = tpu.vector_load %arg12[%get3A_447, %get3A_448] {strides = array<i32>} : memref<512x32xf32, #tpu.memory_space<vmem>>, vector<16xf32>,
      %mul3A_450 = arith.mulf %get3A_440, %get3A_446 : vector<16xf32>
      %mul3A_451 = arith.mulf %get3A_443, %get3A_449 : vector<16xf32>
      %add3A_452 = arith.addf %mul3A_450, %mul3A_451 : vector<16xf32>
      %reduce_sum3A_453 = arith.constant true
      %reduce_sum3A_454 = vector.broadcast %reduce_sum3A_453 : i1 to vector<16xi1>
      %reduce_sum3A_455 = tpu.scan <sum>, %add3A_452 masked %reduce_sum3A_454 : vector<16xf32>, vector<16xi1> -> vector<16xf32>
      %reduce_sum3A_456 = vector.extract %reduce_sum3A_455[15] : f32 from vector<16xf32>
      %eq3A_457 = arith.constant 5 : i32
      %eq3A_458 = vector.broadcast %eq3A_457 : i32 to vector<16xi32>
      %eq3A_459 = arith.cmpi eq, %iota3A, %eq3A_458 : vector<16xi32>
      %broadcast_in_dim3A_460 = vector.broadcast %reduce_sum3A_456 : f32 to vector<16xf32>
      %select_n3A_461 = arith.select %eq3A_459, %broadcast_in_dim3A_460, %select_n3A_433 : vector<16xi1>, vector<16xf32>
      %mul3A_462 = arith.constant 16 : i32
      %mul3A_463 = arith.muli %scan3A_296, %mul3A_462 : i32
      %add3A_464 = arith.constant 6 : i32
      %add3A_465 = arith.addi %mul3A_463, %add3A_464 : i32
      %get3A_466 = arith.index_cast %add3A_465 : i32 to index
      %get3A_467 = arith.constant 0 : index
      %get3A_468 = tpu.vector_load %arg11[%get3A_466, %get3A_467] {strides = array<i32>} : memref<512x32xf32, #tpu.memory_space<vmem>>, vector<16xf32>,
      %get3A_469 = arith.index_cast %add3A_465 : i32 to index
      %get3A_470 = arith.constant 16 : index
      %get3A_471 = tpu.vector_load %arg11[%get3A_469, %get3A_470] {strides = array<i32>} : memref<512x32xf32, #tpu.memory_space<vmem>>, vector<16xf32>,
      %get3A_472 = arith.index_cast %add3A_465 : i32 to index
      %get3A_473 = arith.constant 0 : index
      %get3A_474 = tpu.vector_load %arg12[%get3A_472, %get3A_473] {strides = array<i32>} : memref<512x32xf32, #tpu.memory_space<vmem>>, vector<16xf32>,
      %get3A_475 = arith.index_cast %add3A_465 : i32 to index
      %get3A_476 = arith.constant 16 : index
      %get3A_477 = tpu.vector_load %arg12[%get3A_475, %get3A_476] {strides = array<i32>} : memref<512x32xf32, #tpu.memory_space<vmem>>, vector<16xf32>,
      %mul3A_478 = arith.mulf %get3A_468, %get3A_474 : vector<16xf32>
      %mul3A_479 = arith.mulf %get3A_471, %get3A_477 : vector<16xf32>
      %add3A_480 = arith.addf %mul3A_478, %mul3A_479 : vector<16xf32>
      %reduce_sum3A_481 = arith.constant true
      %reduce_sum3A_482 = vector.broadcast %reduce_sum3A_481 : i1 to vector<16xi1>
      %reduce_sum3A_483 = tpu.scan <sum>, %add3A_480 masked %reduce_sum3A_482 : vector<16xf32>, vector<16xi1> -> vector<16xf32>
      %reduce_sum3A_484 = vector.extract %reduce_sum3A_483[15] : f32 from vector<16xf32>
      %eq3A_485 = arith.constant 6 : i32
      %eq3A_486 = vector.broadcast %eq3A_485 : i32 to vector<16xi32>
      %eq3A_487 = arith.cmpi eq, %iota3A, %eq3A_486 : vector<16xi32>
      %broadcast_in_dim3A_488 = vector.broadcast %reduce_sum3A_484 : f32 to vector<16xf32>
      %select_n3A_489 = arith.select %eq3A_487, %broadcast_in_dim3A_488, %select_n3A_461 : vector<16xi1>, vector<16xf32>
      %mul3A_490 = arith.constant 16 : i32
      %mul3A_491 = arith.muli %scan3A_296, %mul3A_490 : i32
      %add3A_492 = arith.constant 7 : i32
      %add3A_493 = arith.addi %mul3A_491, %add3A_492 : i32
      %get3A_494 = arith.index_cast %add3A_493 : i32 to index
      %get3A_495 = arith.constant 0 : index
      %get3A_496 = tpu.vector_load %arg11[%get3A_494, %get3A_495] {strides = array<i32>} : memref<512x32xf32, #tpu.memory_space<vmem>>, vector<16xf32>,
      %get3A_497 = arith.index_cast %add3A_493 : i32 to index
      %get3A_498 = arith.constant 16 : index
      %get3A_499 = tpu.vector_load %arg11[%get3A_497, %get3A_498] {strides = array<i32>} : memref<512x32xf32, #tpu.memory_space<vmem>>, vector<16xf32>,
      %get3A_500 = arith.index_cast %add3A_493 : i32 to index
      %get3A_501 = arith.constant 0 : index
      %get3A_502 = tpu.vector_load %arg12[%get3A_500, %get3A_501] {strides = array<i32>} : memref<512x32xf32, #tpu.memory_space<vmem>>, vector<16xf32>,
      %get3A_503 = arith.index_cast %add3A_493 : i32 to index
      %get3A_504 = arith.constant 16 : index
      %get3A_505 = tpu.vector_load %arg12[%get3A_503, %get3A_504] {strides = array<i32>} : memref<512x32xf32, #tpu.memory_space<vmem>>, vector<16xf32>,
      %mul3A_506 = arith.mulf %get3A_496, %get3A_502 : vector<16xf32>
      %mul3A_507 = arith.mulf %get3A_499, %get3A_505 : vector<16xf32>
      %add3A_508 = arith.addf %mul3A_506, %mul3A_507 : vector<16xf32>
      %reduce_sum3A_509 = arith.constant true
      %reduce_sum3A_510 = vector.broadcast %reduce_sum3A_509 : i1 to vector<16xi1>
      %reduce_sum3A_511 = tpu.scan <sum>, %add3A_508 masked %reduce_sum3A_510 : vector<16xf32>, vector<16xi1> -> vector<16xf32>
      %reduce_sum3A_512 = vector.extract %reduce_sum3A_511[15] : f32 from vector<16xf32>
      %eq3A_513 = arith.constant 7 : i32
      %eq3A_514 = vector.broadcast %eq3A_513 : i32 to vector<16xi32>
      %eq3A_515 = arith.cmpi eq, %iota3A, %eq3A_514 : vector<16xi32>
      %broadcast_in_dim3A_516 = vector.broadcast %reduce_sum3A_512 : f32 to vector<16xf32>
      %select_n3A_517 = arith.select %eq3A_515, %broadcast_in_dim3A_516, %select_n3A_489 : vector<16xi1>, vector<16xf32>
      %mul3A_518 = arith.constant 16 : i32
      %mul3A_519 = arith.muli %scan3A_296, %mul3A_518 : i32
      %add3A_520 = arith.constant 8 : i32
      %add3A_521 = arith.addi %mul3A_519, %add3A_520 : i32
      %get3A_522 = arith.index_cast %add3A_521 : i32 to index
      %get3A_523 = arith.constant 0 : index
      %get3A_524 = tpu.vector_load %arg11[%get3A_522, %get3A_523] {strides = array<i32>} : memref<512x32xf32, #tpu.memory_space<vmem>>, vector<16xf32>,
      %get3A_525 = arith.index_cast %add3A_521 : i32 to index
      %get3A_526 = arith.constant 16 : index
      %get3A_527 = tpu.vector_load %arg11[%get3A_525, %get3A_526] {strides = array<i32>} : memref<512x32xf32, #tpu.memory_space<vmem>>, vector<16xf32>,
      %get3A_528 = arith.index_cast %add3A_521 : i32 to index
      %get3A_529 = arith.constant 0 : index
      %get3A_530 = tpu.vector_load %arg12[%get3A_528, %get3A_529] {strides = array<i32>} : memref<512x32xf32, #tpu.memory_space<vmem>>, vector<16xf32>,
      %get3A_531 = arith.index_cast %add3A_521 : i32 to index
      %get3A_532 = arith.constant 16 : index
      %get3A_533 = tpu.vector_load %arg12[%get3A_531, %get3A_532] {strides = array<i32>} : memref<512x32xf32, #tpu.memory_space<vmem>>, vector<16xf32>,
      %mul3A_534 = arith.mulf %get3A_524, %get3A_530 : vector<16xf32>
      %mul3A_535 = arith.mulf %get3A_527, %get3A_533 : vector<16xf32>
      %add3A_536 = arith.addf %mul3A_534, %mul3A_535 : vector<16xf32>
      %reduce_sum3A_537 = arith.constant true
      %reduce_sum3A_538 = vector.broadcast %reduce_sum3A_537 : i1 to vector<16xi1>
      %reduce_sum3A_539 = tpu.scan <sum>, %add3A_536 masked %reduce_sum3A_538 : vector<16xf32>, vector<16xi1> -> vector<16xf32>
      %reduce_sum3A_540 = vector.extract %reduce_sum3A_539[15] : f32 from vector<16xf32>
      %eq3A_541 = arith.constant 8 : i32
      %eq3A_542 = vector.broadcast %eq3A_541 : i32 to vector<16xi32>
      %eq3A_543 = arith.cmpi eq, %iota3A, %eq3A_542 : vector<16xi32>
      %broadcast_in_dim3A_544 = vector.broadcast %reduce_sum3A_540 : f32 to vector<16xf32>
      %select_n3A_545 = arith.select %eq3A_543, %broadcast_in_dim3A_544, %select_n3A_517 : vector<16xi1>, vector<16xf32>
      %mul3A_546 = arith.constant 16 : i32
      %mul3A_547 = arith.muli %scan3A_296, %mul3A_546 : i32
      %add3A_548 = arith.constant 9 : i32
      %add3A_549 = arith.addi %mul3A_547, %add3A_548 : i32
      %get3A_550 = arith.index_cast %add3A_549 : i32 to index
      %get3A_551 = arith.constant 0 : index
      %get3A_552 = tpu.vector_load %arg11[%get3A_550, %get3A_551] {strides = array<i32>} : memref<512x32xf32, #tpu.memory_space<vmem>>, vector<16xf32>,
      %get3A_553 = arith.index_cast %add3A_549 : i32 to index
      %get3A_554 = arith.constant 16 : index
      %get3A_555 = tpu.vector_load %arg11[%get3A_553, %get3A_554] {strides = array<i32>} : memref<512x32xf32, #tpu.memory_space<vmem>>, vector<16xf32>,
      %get3A_556 = arith.index_cast %add3A_549 : i32 to index
      %get3A_557 = arith.constant 0 : index
      %get3A_558 = tpu.vector_load %arg12[%get3A_556, %get3A_557] {strides = array<i32>} : memref<512x32xf32, #tpu.memory_space<vmem>>, vector<16xf32>,
      %get3A_559 = arith.index_cast %add3A_549 : i32 to index
      %get3A_560 = arith.constant 16 : index
      %get3A_561 = tpu.vector_load %arg12[%get3A_559, %get3A_560] {strides = array<i32>} : memref<512x32xf32, #tpu.memory_space<vmem>>, vector<16xf32>,
      %mul3A_562 = arith.mulf %get3A_552, %get3A_558 : vector<16xf32>
      %mul3A_563 = arith.mulf %get3A_555, %get3A_561 : vector<16xf32>
      %add3A_564 = arith.addf %mul3A_562, %mul3A_563 : vector<16xf32>
      %reduce_sum3A_565 = arith.constant true
      %reduce_sum3A_566 = vector.broadcast %reduce_sum3A_565 : i1 to vector<16xi1>
      %reduce_sum3A_567 = tpu.scan <sum>, %add3A_564 masked %reduce_sum3A_566 : vector<16xf32>, vector<16xi1> -> vector<16xf32>
      %reduce_sum3A_568 = vector.extract %reduce_sum3A_567[15] : f32 from vector<16xf32>
      %eq3A_569 = arith.constant 9 : i32
      %eq3A_570 = vector.broadcast %eq3A_569 : i32 to vector<16xi32>
      %eq3A_571 = arith.cmpi eq, %iota3A, %eq3A_570 : vector<16xi32>
      %broadcast_in_dim3A_572 = vector.broadcast %reduce_sum3A_568 : f32 to vector<16xf32>
      %select_n3A_573 = arith.select %eq3A_571, %broadcast_in_dim3A_572, %select_n3A_545 : vector<16xi1>, vector<16xf32>
      %mul3A_574 = arith.constant 16 : i32
      %mul3A_575 = arith.muli %scan3A_296, %mul3A_574 : i32
      %add3A_576 = arith.constant 10 : i32
      %add3A_577 = arith.addi %mul3A_575, %add3A_576 : i32
      %get3A_578 = arith.index_cast %add3A_577 : i32 to index
      %get3A_579 = arith.constant 0 : index
      %get3A_580 = tpu.vector_load %arg11[%get3A_578, %get3A_579] {strides = array<i32>} : memref<512x32xf32, #tpu.memory_space<vmem>>, vector<16xf32>,
      %get3A_581 = arith.index_cast %add3A_577 : i32 to index
      %get3A_582 = arith.constant 16 : index
      %get3A_583 = tpu.vector_load %arg11[%get3A_581, %get3A_582] {strides = array<i32>} : memref<512x32xf32, #tpu.memory_space<vmem>>, vector<16xf32>,
      %get3A_584 = arith.index_cast %add3A_577 : i32 to index
      %get3A_585 = arith.constant 0 : index
      %get3A_586 = tpu.vector_load %arg12[%get3A_584, %get3A_585] {strides = array<i32>} : memref<512x32xf32, #tpu.memory_space<vmem>>, vector<16xf32>,
      %get3A_587 = arith.index_cast %add3A_577 : i32 to index
      %get3A_588 = arith.constant 16 : index
      %get3A_589 = tpu.vector_load %arg12[%get3A_587, %get3A_588] {strides = array<i32>} : memref<512x32xf32, #tpu.memory_space<vmem>>, vector<16xf32>,
      %mul3A_590 = arith.mulf %get3A_580, %get3A_586 : vector<16xf32>
      %mul3A_591 = arith.mulf %get3A_583, %get3A_589 : vector<16xf32>
      %add3A_592 = arith.addf %mul3A_590, %mul3A_591 : vector<16xf32>
      %reduce_sum3A_593 = arith.constant true
      %reduce_sum3A_594 = vector.broadcast %reduce_sum3A_593 : i1 to vector<16xi1>
      %reduce_sum3A_595 = tpu.scan <sum>, %add3A_592 masked %reduce_sum3A_594 : vector<16xf32>, vector<16xi1> -> vector<16xf32>
      %reduce_sum3A_596 = vector.extract %reduce_sum3A_595[15] : f32 from vector<16xf32>
      %eq3A_597 = arith.constant 10 : i32
      %eq3A_598 = vector.broadcast %eq3A_597 : i32 to vector<16xi32>
      %eq3A_599 = arith.cmpi eq, %iota3A, %eq3A_598 : vector<16xi32>
      %broadcast_in_dim3A_600 = vector.broadcast %reduce_sum3A_596 : f32 to vector<16xf32>
      %select_n3A_601 = arith.select %eq3A_599, %broadcast_in_dim3A_600, %select_n3A_573 : vector<16xi1>, vector<16xf32>
      %mul3A_602 = arith.constant 16 : i32
      %mul3A_603 = arith.muli %scan3A_296, %mul3A_602 : i32
      %add3A_604 = arith.constant 11 : i32
      %add3A_605 = arith.addi %mul3A_603, %add3A_604 : i32
      %get3A_606 = arith.index_cast %add3A_605 : i32 to index
      %get3A_607 = arith.constant 0 : index
      %get3A_608 = tpu.vector_load %arg11[%get3A_606, %get3A_607] {strides = array<i32>} : memref<512x32xf32, #tpu.memory_space<vmem>>, vector<16xf32>,
      %get3A_609 = arith.index_cast %add3A_605 : i32 to index
      %get3A_610 = arith.constant 16 : index
      %get3A_611 = tpu.vector_load %arg11[%get3A_609, %get3A_610] {strides = array<i32>} : memref<512x32xf32, #tpu.memory_space<vmem>>, vector<16xf32>,
      %get3A_612 = arith.index_cast %add3A_605 : i32 to index
      %get3A_613 = arith.constant 0 : index
      %get3A_614 = tpu.vector_load %arg12[%get3A_612, %get3A_613] {strides = array<i32>} : memref<512x32xf32, #tpu.memory_space<vmem>>, vector<16xf32>,
      %get3A_615 = arith.index_cast %add3A_605 : i32 to index
      %get3A_616 = arith.constant 16 : index
      %get3A_617 = tpu.vector_load %arg12[%get3A_615, %get3A_616] {strides = array<i32>} : memref<512x32xf32, #tpu.memory_space<vmem>>, vector<16xf32>,
      %mul3A_618 = arith.mulf %get3A_608, %get3A_614 : vector<16xf32>
      %mul3A_619 = arith.mulf %get3A_611, %get3A_617 : vector<16xf32>
      %add3A_620 = arith.addf %mul3A_618, %mul3A_619 : vector<16xf32>
      %reduce_sum3A_621 = arith.constant true
      %reduce_sum3A_622 = vector.broadcast %reduce_sum3A_621 : i1 to vector<16xi1>
      %reduce_sum3A_623 = tpu.scan <sum>, %add3A_620 masked %reduce_sum3A_622 : vector<16xf32>, vector<16xi1> -> vector<16xf32>
      %reduce_sum3A_624 = vector.extract %reduce_sum3A_623[15] : f32 from vector<16xf32>
      %eq3A_625 = arith.constant 11 : i32
      %eq3A_626 = vector.broadcast %eq3A_625 : i32 to vector<16xi32>
      %eq3A_627 = arith.cmpi eq, %iota3A, %eq3A_626 : vector<16xi32>
      %broadcast_in_dim3A_628 = vector.broadcast %reduce_sum3A_624 : f32 to vector<16xf32>
      %select_n3A_629 = arith.select %eq3A_627, %broadcast_in_dim3A_628, %select_n3A_601 : vector<16xi1>, vector<16xf32>
      %mul3A_630 = arith.constant 16 : i32
      %mul3A_631 = arith.muli %scan3A_296, %mul3A_630 : i32
      %add3A_632 = arith.constant 12 : i32
      %add3A_633 = arith.addi %mul3A_631, %add3A_632 : i32
      %get3A_634 = arith.index_cast %add3A_633 : i32 to index
      %get3A_635 = arith.constant 0 : index
      %get3A_636 = tpu.vector_load %arg11[%get3A_634, %get3A_635] {strides = array<i32>} : memref<512x32xf32, #tpu.memory_space<vmem>>, vector<16xf32>,
      %get3A_637 = arith.index_cast %add3A_633 : i32 to index
      %get3A_638 = arith.constant 16 : index
      %get3A_639 = tpu.vector_load %arg11[%get3A_637, %get3A_638] {strides = array<i32>} : memref<512x32xf32, #tpu.memory_space<vmem>>, vector<16xf32>,
      %get3A_640 = arith.index_cast %add3A_633 : i32 to index
      %get3A_641 = arith.constant 0 : index
      %get3A_642 = tpu.vector_load %arg12[%get3A_640, %get3A_641] {strides = array<i32>} : memref<512x32xf32, #tpu.memory_space<vmem>>, vector<16xf32>,
      %get3A_643 = arith.index_cast %add3A_633 : i32 to index
      %get3A_644 = arith.constant 16 : index
      %get3A_645 = tpu.vector_load %arg12[%get3A_643, %get3A_644] {strides = array<i32>} : memref<512x32xf32, #tpu.memory_space<vmem>>, vector<16xf32>,
      %mul3A_646 = arith.mulf %get3A_636, %get3A_642 : vector<16xf32>
      %mul3A_647 = arith.mulf %get3A_639, %get3A_645 : vector<16xf32>
      %add3A_648 = arith.addf %mul3A_646, %mul3A_647 : vector<16xf32>
      %reduce_sum3A_649 = arith.constant true
      %reduce_sum3A_650 = vector.broadcast %reduce_sum3A_649 : i1 to vector<16xi1>
      %reduce_sum3A_651 = tpu.scan <sum>, %add3A_648 masked %reduce_sum3A_650 : vector<16xf32>, vector<16xi1> -> vector<16xf32>
      %reduce_sum3A_652 = vector.extract %reduce_sum3A_651[15] : f32 from vector<16xf32>
      %eq3A_653 = arith.constant 12 : i32
      %eq3A_654 = vector.broadcast %eq3A_653 : i32 to vector<16xi32>
      %eq3A_655 = arith.cmpi eq, %iota3A, %eq3A_654 : vector<16xi32>
      %broadcast_in_dim3A_656 = vector.broadcast %reduce_sum3A_652 : f32 to vector<16xf32>
      %select_n3A_657 = arith.select %eq3A_655, %broadcast_in_dim3A_656, %select_n3A_629 : vector<16xi1>, vector<16xf32>
      %mul3A_658 = arith.constant 16 : i32
      %mul3A_659 = arith.muli %scan3A_296, %mul3A_658 : i32
      %add3A_660 = arith.constant 13 : i32
      %add3A_661 = arith.addi %mul3A_659, %add3A_660 : i32
      %get3A_662 = arith.index_cast %add3A_661 : i32 to index
      %get3A_663 = arith.constant 0 : index
      %get3A_664 = tpu.vector_load %arg11[%get3A_662, %get3A_663] {strides = array<i32>} : memref<512x32xf32, #tpu.memory_space<vmem>>, vector<16xf32>,
      %get3A_665 = arith.index_cast %add3A_661 : i32 to index
      %get3A_666 = arith.constant 16 : index
      %get3A_667 = tpu.vector_load %arg11[%get3A_665, %get3A_666] {strides = array<i32>} : memref<512x32xf32, #tpu.memory_space<vmem>>, vector<16xf32>,
      %get3A_668 = arith.index_cast %add3A_661 : i32 to index
      %get3A_669 = arith.constant 0 : index
      %get3A_670 = tpu.vector_load %arg12[%get3A_668, %get3A_669] {strides = array<i32>} : memref<512x32xf32, #tpu.memory_space<vmem>>, vector<16xf32>,
      %get3A_671 = arith.index_cast %add3A_661 : i32 to index
      %get3A_672 = arith.constant 16 : index
      %get3A_673 = tpu.vector_load %arg12[%get3A_671, %get3A_672] {strides = array<i32>} : memref<512x32xf32, #tpu.memory_space<vmem>>, vector<16xf32>,
      %mul3A_674 = arith.mulf %get3A_664, %get3A_670 : vector<16xf32>
      %mul3A_675 = arith.mulf %get3A_667, %get3A_673 : vector<16xf32>
      %add3A_676 = arith.addf %mul3A_674, %mul3A_675 : vector<16xf32>
      %reduce_sum3A_677 = arith.constant true
      %reduce_sum3A_678 = vector.broadcast %reduce_sum3A_677 : i1 to vector<16xi1>
      %reduce_sum3A_679 = tpu.scan <sum>, %add3A_676 masked %reduce_sum3A_678 : vector<16xf32>, vector<16xi1> -> vector<16xf32>
      %reduce_sum3A_680 = vector.extract %reduce_sum3A_679[15] : f32 from vector<16xf32>
      %eq3A_681 = arith.constant 13 : i32
      %eq3A_682 = vector.broadcast %eq3A_681 : i32 to vector<16xi32>
      %eq3A_683 = arith.cmpi eq, %iota3A, %eq3A_682 : vector<16xi32>
      %broadcast_in_dim3A_684 = vector.broadcast %reduce_sum3A_680 : f32 to vector<16xf32>
      %select_n3A_685 = arith.select %eq3A_683, %broadcast_in_dim3A_684, %select_n3A_657 : vector<16xi1>, vector<16xf32>
      %mul3A_686 = arith.constant 16 : i32
      %mul3A_687 = arith.muli %scan3A_296, %mul3A_686 : i32
      %add3A_688 = arith.constant 14 : i32
      %add3A_689 = arith.addi %mul3A_687, %add3A_688 : i32
      %get3A_690 = arith.index_cast %add3A_689 : i32 to index
      %get3A_691 = arith.constant 0 : index
      %get3A_692 = tpu.vector_load %arg11[%get3A_690, %get3A_691] {strides = array<i32>} : memref<512x32xf32, #tpu.memory_space<vmem>>, vector<16xf32>,
      %get3A_693 = arith.index_cast %add3A_689 : i32 to index
      %get3A_694 = arith.constant 16 : index
      %get3A_695 = tpu.vector_load %arg11[%get3A_693, %get3A_694] {strides = array<i32>} : memref<512x32xf32, #tpu.memory_space<vmem>>, vector<16xf32>,
      %get3A_696 = arith.index_cast %add3A_689 : i32 to index
      %get3A_697 = arith.constant 0 : index
      %get3A_698 = tpu.vector_load %arg12[%get3A_696, %get3A_697] {strides = array<i32>} : memref<512x32xf32, #tpu.memory_space<vmem>>, vector<16xf32>,
      %get3A_699 = arith.index_cast %add3A_689 : i32 to index
      %get3A_700 = arith.constant 16 : index
      %get3A_701 = tpu.vector_load %arg12[%get3A_699, %get3A_700] {strides = array<i32>} : memref<512x32xf32, #tpu.memory_space<vmem>>, vector<16xf32>,
      %mul3A_702 = arith.mulf %get3A_692, %get3A_698 : vector<16xf32>
      %mul3A_703 = arith.mulf %get3A_695, %get3A_701 : vector<16xf32>
      %add3A_704 = arith.addf %mul3A_702, %mul3A_703 : vector<16xf32>
      %reduce_sum3A_705 = arith.constant true
      %reduce_sum3A_706 = vector.broadcast %reduce_sum3A_705 : i1 to vector<16xi1>
      %reduce_sum3A_707 = tpu.scan <sum>, %add3A_704 masked %reduce_sum3A_706 : vector<16xf32>, vector<16xi1> -> vector<16xf32>
      %reduce_sum3A_708 = vector.extract %reduce_sum3A_707[15] : f32 from vector<16xf32>
      %eq3A_709 = arith.constant 14 : i32
      %eq3A_710 = vector.broadcast %eq3A_709 : i32 to vector<16xi32>
      %eq3A_711 = arith.cmpi eq, %iota3A, %eq3A_710 : vector<16xi32>
      %broadcast_in_dim3A_712 = vector.broadcast %reduce_sum3A_708 : f32 to vector<16xf32>
      %select_n3A_713 = arith.select %eq3A_711, %broadcast_in_dim3A_712, %select_n3A_685 : vector<16xi1>, vector<16xf32>
      %mul3A_714 = arith.constant 16 : i32
      %mul3A_715 = arith.muli %scan3A_296, %mul3A_714 : i32
      %add3A_716 = arith.constant 15 : i32
      %add3A_717 = arith.addi %mul3A_715, %add3A_716 : i32
      %get3A_718 = arith.index_cast %add3A_717 : i32 to index
      %get3A_719 = arith.constant 0 : index
      %get3A_720 = tpu.vector_load %arg11[%get3A_718, %get3A_719] {strides = array<i32>} : memref<512x32xf32, #tpu.memory_space<vmem>>, vector<16xf32>,
      %get3A_721 = arith.index_cast %add3A_717 : i32 to index
      %get3A_722 = arith.constant 16 : index
      %get3A_723 = tpu.vector_load %arg11[%get3A_721, %get3A_722] {strides = array<i32>} : memref<512x32xf32, #tpu.memory_space<vmem>>, vector<16xf32>,
      %get3A_724 = arith.index_cast %add3A_717 : i32 to index
      %get3A_725 = arith.constant 0 : index
      %get3A_726 = tpu.vector_load %arg12[%get3A_724, %get3A_725] {strides = array<i32>} : memref<512x32xf32, #tpu.memory_space<vmem>>, vector<16xf32>,
      %get3A_727 = arith.index_cast %add3A_717 : i32 to index
      %get3A_728 = arith.constant 16 : index
      %get3A_729 = tpu.vector_load %arg12[%get3A_727, %get3A_728] {strides = array<i32>} : memref<512x32xf32, #tpu.memory_space<vmem>>, vector<16xf32>,
      %mul3A_730 = arith.mulf %get3A_720, %get3A_726 : vector<16xf32>
      %mul3A_731 = arith.mulf %get3A_723, %get3A_729 : vector<16xf32>
      %add3A_732 = arith.addf %mul3A_730, %mul3A_731 : vector<16xf32>
      %reduce_sum3A_733 = arith.constant true
      %reduce_sum3A_734 = vector.broadcast %reduce_sum3A_733 : i1 to vector<16xi1>
      %reduce_sum3A_735 = tpu.scan <sum>, %add3A_732 masked %reduce_sum3A_734 : vector<16xf32>, vector<16xi1> -> vector<16xf32>
      %reduce_sum3A_736 = vector.extract %reduce_sum3A_735[15] : f32 from vector<16xf32>
      %eq3A_737 = arith.constant 15 : i32
      %eq3A_738 = vector.broadcast %eq3A_737 : i32 to vector<16xi32>
      %eq3A_739 = arith.cmpi eq, %iota3A, %eq3A_738 : vector<16xi32>
      %broadcast_in_dim3A_740 = vector.broadcast %reduce_sum3A_736 : f32 to vector<16xf32>
      %select_n3A_741 = arith.select %eq3A_739, %broadcast_in_dim3A_740, %select_n3A_713 : vector<16xi1>, vector<16xf32>
      %mul3A_742 = arith.constant 16 : i32
      %mul3A_743 = arith.muli %scan3A_296, %mul3A_742 : i32
      %get3A_744 = arith.index_cast %mul3A_743 : i32 to index
      %get3A_745 = tpu.vector_load %arg13[%get3A_744] {strides = array<i32>} : memref<512xf32, #tpu.memory_space<vmem>>, vector<16xf32>,
      %add3A_746 = arith.addf %select_n3A_741, %get3A_745 : vector<16xf32>
      %mul3A_747 = arith.constant 16 : i32
      %mul3A_748 = arith.muli %scan3A_296, %mul3A_747 : i32
      %get3A_749 = arith.index_cast %mul3A_748 : i32 to index
      %get3A_750 = tpu.vector_load %arg14[%get3A_749] {strides = array<i32>} : memref<512xf32, #tpu.memory_space<vmem>>, vector<16xf32>,
      %add3A_751 = arith.addf %add3A_746, %get3A_750 : vector<16xf32>
      %mul3A_752 = arith.constant 16 : i32
      %mul3A_753 = arith.muli %scan3A_296, %mul3A_752 : i32
      %swap3A = arith.index_cast %mul3A_753 : i32 to index
      %swap3A_754 = tpu.vector_load %arg15[%swap3A] {strides = array<i32>} : memref<512xf32, #tpu.memory_space<vmem>>, vector<16xf32>,
      tpu.vector_store %arg15[%swap3A], %add3A_751 {strides = array<i32>} : memref<512xf32, #tpu.memory_space<vmem>>, vector<16xf32>,
    }
    %scan3A_295 = arith.constant 32 : i32
    "tpu.region"() ({
      %run_scoped3A = tpu.sem_alloc : memref<!tpu.dma_semaphore, #tpu.memory_space<semaphore_mem>>
      %dma_start3A_296 = tpu.memref_slice %arg8[%mul3A_2] : memref<16384xf32, #tpu.memory_space<hbm>> -> memref<512xf32, #tpu.memory_space<hbm>>
      %dma_start3A_297 = tpu.memref_slice %arg8[%mul3A_2] : memref<16384xf32, #tpu.memory_space<hbm>> -> memref<512xf32, #tpu.memory_space<hbm>>
      tpu.enqueue_dma source(%arg15 : memref<512xf32, #tpu.memory_space<vmem>>) target(%dma_start3A_297 : memref<512xf32, #tpu.memory_space<hbm>>) target_semaphore(%run_scoped3A : memref<!tpu.dma_semaphore, #tpu.memory_space<semaphore_mem>>)
      %dma_wait3A_298 = tpu.memref_slice %arg8[%mul3A_2] : memref<16384xf32, #tpu.memory_space<hbm>> -> memref<512xf32, #tpu.memory_space<hbm>>
      %dma_wait3A_299 = tpu.memref_slice %arg8[%mul3A_2] : memref<16384xf32, #tpu.memory_space<hbm>> -> memref<512xf32, #tpu.memory_space<hbm>>
      tpu.wait_dma2 semaphore(%run_scoped3A : memref<!tpu.dma_semaphore, #tpu.memory_space<semaphore_mem>>) src(%arg15 : memref<512xf32, #tpu.memory_space<vmem>>) dst(%dma_wait3A_299 : memref<512xf32, #tpu.memory_space<hbm>>)
      tpu.yield
    }) : () -> ()
    return
  }
}

</mosaic_0001>

<sc_bundles>
// kernel: kernel.3.cloned.1.call-start
scs
__scs_entry_jumppad:
0x0: {  	(pc) =	sbr.rel $0x88, $3  }
0x1: {  	(tag) =	ssettag $0x0;
	lr =	simm.s32 $0x1  }
0x2: {  	[smem:$0x3F9B] =	sst lr;
	_ =	strace $0xD0000000  }
0x3: {  	_ = 	snop  }
0x4: {  	_ = 	snop  }
0x5: {  	_ = 	snop  }
0x6: {  	_ = 	snop  }
0x7: {  	_ = 	snop  }
__scs_overlays_trampoline_lowered:
0x8: {  	[smem:$0x3FAA] =	sst s0  }
0x9: {  	[smem:$0x3FAB] =	sst s1  }
0xa: {  	[smem:$0x3FAC] =	sst s2  }
0xb: {  	[smem:$0x3FAD] =	sst s3  }
0xc: {  	[smem:$0x3FAE] =	sst s4  }
0xd: {  	[smem:$0x3FAF] =	sst s5  }
0xe: {  	[smem:$0x3FB0] =	sst s6  }
0xf: {  	[smem:$0x3FB1] =	sst s7  }
0x10: {  	[smem:$0x3FB2] =	sst s8  }
0x11: {  	[smem:$0x3FB3] =	sst s9;
	s0 =	simm.s32 @!p0 $0x0  }
0x12: {  	s1 =	sld [smem:$0x3F99];
	s0 =	simm.s32 @p0 $0x1  }
0x13: {  	[smem:$0x3FB4] =	sst s0;
	s0 =	simm.s32 @!p1 $0x0  }
0x14: {  	s2 =	sld [smem:$0x3F98];
	s0 =	simm.s32 @p1 $0x1  }
0x15: {  	[smem:$0x3FB5] =	sst s0;
	s0 =	simm.s32 @!p2 $0x0  }
0x16: {  	s3 =	sld [smem:$0x3FDB];
	s0 =	simm.s32 @p2 $0x1  }
0x17: {  	s4 =	simm.s32 $0x1BF5;
	[smem:$0x3FB7] =	sst s0  }
0x18: {  	s0 =	sld [smem:$0x3F9A];
	_ =	swait.ge [sflag:s4], $0x0  }
0x19: {  	s7 =	sld [smem:$0x3F9B]  }
0x1a: {  	s8 =	sadd.s32 $0xFFFFE003, lr  }
0x1b: {  	s9 =	sadd.s32 $0xFFFFFEF7, lr;
	s5 =	simm.s32 $0xFFFFFFFF;
	p2 =	slt.u32 s8, $0xFFFFF086  }
0x1c: {  	p1 =	slt.u32 s9, $0xF7A;
	s5 =	simm.s32 @!p2 $0x0  }
0x1d: {  	s5 =	simm.s32 @p1 $0x1;
	p0 =	seq.s32 s7, s2  }
0x1e: {  	s7 =	smul.u32 @!p0 $0xF7A, s2;
	p2 =	seq.s32 @!p0 s5, $0x0  }
0x1f: {  	s9 =	smul.u32 $0xF7A, s1;
	s8 =	simm.s32 @!p0 $0x1BF5;
	p2 =	por !p2, p0  }
0x20: {  	[sflag:s8] =	ssyncset.s32 @!p0 $0xFFFFF086;
	s6 =	sadd.s32 @!p0 s3, s7;
	s7 =	simm.s32 @!p0 $0x108  }
0x21: {  	s3 =	sadd.s32 s3, s9;
	s6 =	sadd.s32 @!p0 $0x88, s6;
	s7 =	simm.s32 @p2 $0x1082  }
0x22: {  	[simem:s7], [sflag:s8] =	dma.local @!p0 [hbm:s6], $0xF7A  }
0x23: {  	s9 =	sor.u32 $0xD0000000, s2;
	s6 =	simm.s32 $0x108;
	_ =	swait.ge @!p0 [sflag:s8], $0x0  }
0x24: {  	s3 =	sadd.s32 $0x88, s3;
	s6 =	simm.s32 @!p1 $0x1082;
	[sflag:s4] =	ssyncset.s32 $0xFFFFF086  }
0x25: {  	[simem:s6], [sflag:s4] =	dma.local [hbm:s3], $0xF7A  }
0x26: {  	[smem:$0x3F9B] =	sst s1;
	(tag) =	ssettag s2;
	_ =	strace s9  }
0x27: {  	s1 =	sld [smem:$0x3FAB]  }
0x28: {  	s2 =	sld [smem:$0x3FAC]  }
0x29: {  	s4 =	sld [smem:$0x3FAE]  }
0x2a: {  	p0 =	seq.s32 s5, $0x0;
	s5 =	sld [smem:$0x3FAF]  }
0x2b: {  	s6 =	sld [smem:$0x3FB0]  }
0x2c: {  	s7 =	sld [smem:$0x3FB1]  }
0x2d: {  	s3 =	simm.s32 $0x108;
	s8 =	sld [smem:$0x3FB2]  }
0x2e: {  	s3 =	simm.s32 @!p0 $0x1082;
	s9 =	sld [smem:$0x3FB3]  }
0x2f: {  	lr =	sadd.s32 s0, s3;
	s0 =	sld [smem:$0x3FAA]  }
0x30: {  	s3 =	sld [smem:$0x3FAD]  }
0x31: {  	[smem:$0x3FB6] =	sst s10  }
0x32: {  	s10 =	sld [smem:$0x3FB4];
	_ =	sdelay $0x3  }
0x33: {  	p0 =	seq.s32 s10, $0x1;
	s10 =	sld [smem:$0x3FB6];
	_ =	sdelay $0x3  }
0x34: {  	[smem:$0x3FB6] =	sst s10  }
0x35: {  	s10 =	sld [smem:$0x3FB5];
	_ =	sdelay $0x3  }
0x36: {  	p1 =	seq.s32 s10, $0x1;
	s10 =	sld [smem:$0x3FB6];
	_ =	sdelay $0x3  }
0x37: {  	[smem:$0x3FB6] =	sst s10  }
0x38: {  	s10 =	sld [smem:$0x3FB7]  }
0x39: {  	_ = 	snop;
	(pc) =	sbr.ind lr, $3  }
0x3a: {  	_ = 	snop  }
0x3b: {  	_ = 	snop  }
0x3c: {  	p2 =	seq.s32 s10, $0x1;
	s10 =	sld [smem:$0x3FB6]  }
0x3d: {  	_ =	shalt  }
0x3e: {  	_ =	shalt  }
0x3f: {  	_ =	shalt  }
0x40: {  	_ =	shalt  }
0x41: {  	_ =	shalt  }
0x42: {  	_ =	shalt  }
0x43: {  	_ =	shalt  }
0x44: {  	_ =	shalt  }
0x45: {  	_ =	shalt  }
0x46: {  	_ =	shalt  }
0x47: {  	_ =	shalt  }
0x48: {  	_ =	shalt  }
0x49: {  	_ =	shalt  }
0x4a: {  	_ =	shalt  }
0x4b: {  	_ =	shalt  }
0x4c: {  	_ =	shalt  }
0x4d: {  	_ =	shalt  }
0x4e: {  	_ =	shalt  }
0x4f: {  	_ =	shalt  }
0x50: {  	_ =	shalt  }
0x51: {  	_ =	shalt  }
0x52: {  	_ =	shalt  }
0x53: {  	_ =	shalt  }
0x54: {  	_ =	shalt  }
0x55: {  	_ =	shalt  }
0x56: {  	_ =	shalt  }
0x57: {  	_ =	shalt  }
0x58: {  	_ =	shalt  }
0x59: {  	_ =	shalt  }
0x5a: {  	_ =	shalt  }
0x5b: {  	_ =	shalt  }
0x5c: {  	_ =	shalt  }
0x5d: {  	_ =	shalt  }
0x5e: {  	_ =	shalt  }
0x5f: {  	_ =	shalt  }
0x60: {  	_ =	shalt  }
0x61: {  	_ =	shalt  }
0x62: {  	_ =	shalt  }
0x63: {  	_ =	shalt  }
0x64: {  	_ =	shalt  }
0x65: {  	_ =	shalt  }
0x66: {  	_ =	shalt  }
0x67: {  	_ =	shalt  }
0x68: {  	_ =	shalt  }
0x69: {  	_ =	shalt  }
0x6a: {  	_ =	shalt  }
0x6b: {  	_ =	shalt  }
0x6c: {  	_ =	shalt  }
0x6d: {  	_ =	shalt  }
0x6e: {  	_ =	shalt  }
0x6f: {  	_ =	shalt  }
0x70: {  	_ =	shalt  }
0x71: {  	_ =	shalt  }
0x72: {  	_ =	shalt  }
0x73: {  	_ =	shalt  }
0x74: {  	_ =	shalt  }
0x75: {  	_ =	shalt  }
0x76: {  	_ =	shalt  }
0x77: {  	_ =	shalt  }
0x78: {  	_ =	shalt  }
0x79: {  	_ =	shalt  }
0x7a: {  	_ =	shalt  }
0x7b: {  	_ =	shalt  }
0x7c: {  	_ =	shalt  }
0x7d: {  	_ =	shalt  }
0x7e: {  	_ =	shalt  }
0x7f: {  	_ =	shalt  }
0x80: {  	_ =	shalt  }
0x81: {  	_ =	shalt  }
0x82: {  	_ =	shalt  }
0x83: {  	_ =	shalt  }
0x84: {  	_ =	shalt  }
0x85: {  	_ =	shalt  }
0x86: {  	_ =	shalt  }
0x87: {  	_ =	shalt  }
.Lfunc_end0:
.L_simem_size_0:
called_computation_lowered:
.L_overlay_start_0:
0x88: {  	s2 =	sld [smem:$0x3FD9]  }
0x89: {  	s3 =	sld [smem:$0x3FFE];
	_ =	sdelay $0x1  }
0x8a: {  	s1 =	srdreg.scid  }
0x8b: {  	s0 =	sand.u32 $0x1, s1  }
0x8c: {  	s17 =	sshll.u32 s0, $0xA;
	s2 =	sadd.s32 s3, s2  }
0x8d: {  	s2 =	sadd.s32 s2, s17  }
0x8e: {  	[smem:$0x3FC2] =	sst s2  }
0x8f: {  	_ = 	snop  }
0x90: {  	s2 =	sld [smem:$0x3FC9]  }
0x91: {  	s18 =	sld [smem:$0x3FC8]  }
0x92: {  	s4 =	sld [smem:$0x3FD0];
	(tm) =	ssettm $0x1  }
0x93: {  	s5 =	sld [smem:$0x3FFB];
	_ =	sdelay $0x3  }
0x94: {  	_ =	strace s5  }
0x95: {  	s5 =	sld [smem:$0x3FFC];
	_ =	sdelay $0x3  }
0x96: {  	_ =	strace s5  }
0x97: {  	s5 =	sld [smem:$0x3FFD];
	_ =	sdelay $0x3  }
0x98: {  	_ =	strace s5  }
0x99: {  	_ =	strace $0x8FFFFFFF  }
0x9a: {  	s19 =	sld [smem:$0x3FDB];
	_ =	sdelay $0x1  }
0x9b: {  	s6 =	simm.s32 $_scs_section_size  }
0x9c: {  	s7 =	simm.s32 $_size__tile_overlayer_lowered;
	s8 =	simm.s32 $_tile_overlayer_lowered  }
0x9d: {  	s22 =	simm.s32 $0x1BFF;
	s21 =	sshll.u32 s8, $0x1;
	s5 =	sadd.s32 s6, s19  }
0x9e: {  	s9 =	simm.s32 $0x0;
	s20 =	sshll.u32 s7, $0x1;
	s7 =	sadd.s32 s21, s5  }
0x9f: {  	[timem:s9], [sflag:s22] =	dma.local [hbm:s7], s20  }
0xa0: {  	_ =	swait.ge [sflag:s22], s20  }
0xa1: {  	s6 =	ssub.s32 $0x0, s20;
	[sflag:s22] =	ssyncset.done $0x0  }
0xa2: {  	[sflag:s22] =	ssyncadd.s32 s6;
	_ =	sdelay $0x1  }
0xa3: {  	s23 =	simm.s32 $0x1B8B  }
0xa4: {  	_ =	swait.ge [sflag:s23], $0x1  }
0xa5: {  	[sflag:s23] =	ssyncset.done $0x0  }
0xa6: {  	s25 =	simm.s32 $0x1B8E;
	s24 =	sld [smem:$0x3FFE];
	[sflag:s23] =	ssyncadd.s32 $0xFFFFFFFF  }
0xa7: {  	s26 =	simm.s32 $execute0_lowered;
	[smem:$0x3FD2] =	sst s25  }
0xa8: {  	s7 =	sshll.u32 s26, $0x1;
	_ =	strace $0x80000046;
	[dreg:$0x1] =	wrdreg $0xFFFFFFFF  }
0xa9: {  	s28 =	simm.s32 $_size_execute0_lowered;
	s5 =	sadd.s32 s5, s7;
	[dreg:$0x0] =	wrdreg $0x0  }
0xaa: {  	s7 =	sshll.u32 s28, $0x1;
	[dreg:$0x2] =	wrdreg s5  }
0xab: {  	[dreg:$0x3] =	wrdreg s7  }
0xac: {  	[dreg:$0x4] =	wrdreg $0xC0  }
0xad: {  	_ =	task [dreg:s9], $0x5FFFF  }
0xae: {  	[dreg:$0x1] =	wrdreg $0xFFFFFFFF  }
0xaf: {  	[dreg:$0x0] =	wrdreg $0x60  }
0xb0: {  	[dreg:$0x2] =	wrdreg s2  }
0xb1: {  	[dreg:$0x3] =	wrdreg s18  }
0xb2: {  	[dreg:$0x4] =	wrdreg s24  }
0xb3: {  	[dreg:$0x5] =	wrdreg s4  }
0xb4: {  	[dreg:$0x6] =	wrdreg $0x9  }
0xb5: {  	_ =	task.clear_ibuf [dreg:s9], $0x7FFFF;
	_ =	strace $0x90000046  }
0xb6: {  	s29 =	simm.s32 $0x9;
	_ =	strace $0x80000048  }
0xb7: {  	_ =	swait.ge [sflag:s29], $0x1  }
0xb8: {  	[sflag:s29] =	ssyncadd.s32 $0xFFFFFFFF  }
0xb9: {  	_ =	strace $0x90000048  }
0xba: {  	_ =	sfence  }
0xbb: {  	s30 =	sld [smem:$0x0];
	_ =	sdelay $0x2  }
0xbc: {  	s31 =	sshll.u32 s1, $0xD;
	s1 =	sshrl.u32 s1, $0x2  }
0xbd: {  	s3 =	sand.u32 $0x4000, s31;
	s1 =	sadd.s32 s1, s30  }
0xbe: {  	s0 =	sor.u32 s3, s0;
	s1 =	sshll.u32 s1, $0x11  }
0xbf: {  	s0 =	sor.u32 s1, s0  }
0xc0: {  	s0 =	sadd.s32 $0x8F2B, s0  }
0xc1: {  	[sflag:s0] =	ssyncadd.remote.s32 $0x1  }
0xc2: {  	_ =	sfence.sel $0xFFFF  }
0xc3: {  	[dreg:$0x0] =	wrdreg $0xFFFFFFFF;
	(pc) =	sbr.abs _section_cstart, $3  }
0xc4: {  	[dreg:$0x1] =	wrdreg $0xFFFFFFFF  }
0xc5: {  	_ =	task.clear_ibuf [dreg:s9], $0x2FFFF;
	_ =	strace $0x9FFFFFFF  }
0xc6: {  	(tm) =	ssettm $0x7FFFFFFF  }
0xc7: {  	_ =	shalt  }
tec
execute0_lowered:
.L_overlay_start_1:
0x0: {  	(tag) =	ssettag $0x1  }
0x1: {  	s0 =	rddreg [dreg:$0x0]  }
0x2: {  	s3 =	rddreg [dreg:$0x1]  }
0x3: {  	s1 =	rddreg [dreg:$0x2]  }
0x4: {  	s9 =	rddreg [dreg:$0x3]  }
0x5: {  	s2 =	simm.s32 $0x0;
	s5 =	srdreg.scid;
	s8 =	stileid.u32  }
0x6: {  	s12 =	simm.s32 $0x200;
	s13 =	simm.s32 $0x80;
	s19 =	simm.s32 $0x280  }
0x7: {  	s23 =	simm.s32 $0x100;
	s25 =	simm.s32 $0x300;
	s28 =	simm.s32 $0x8500  }
0x8: {  	s29 =	simm.s32 $0x8700;
	s30 =	simm.s32 $0x180;
	s31 =	simm.s32 $0x3400  }
0x9: {  	s14 =	simm.s32 $0x8580;
	s15 =	simm.s32 $0x8780;
	s16 =	simm.s32 $0x1  }
0xa: {  	s17 =	simm.s32 $0x8800;
	s18 =	simm.s32 $0x0;
	[smem:$0x7FF] =	sst s2  }
0xb: {  	s4 =	sadd.s32 $0x1312E00, s1;
	s5 =	sand.u32 $0x1, s5;
	s8 =	sshll.u32 s8, $0x6  }
0xc: {  	vm0 =	vmmov $0x1;
	vm1 =	vmmov $0x3;
	vm2 =	vmmov $0x7;
	_ =	strace $0x80000047;
	s7 =	ssub.s32 $0x2, s5;
	s6 =	sshll.u32 s5, $0xA  }
0xd: {  	vm3 =	vmmov $0xf;
	vm4 =	vmmov $0x1f;
	vm5 =	vmmov $0x3f;
	s5 =	sadd.s32 $0xF42400, s1;
	s10 =	sshrl.u32 s7, $0x1;
	s11 =	sor.u32 s8, s6  }
0xe: {  	vm6 =	vmmov $0x7f;
	vm7 =	vmmov $0xff;
	vm8 =	vmmov $0x1ff;
	s6 =	sadd.s32 $0x1EA00, s1;
	s10 =	ssub.s32 s7, s10;
	s7 =	sadd.s32 s0, s11  }
0xf: {  	vm9 =	vmmov $0x3ff;
	vm10 =	vmmov $0x7ff;
	vm11 =	vmmov $0xfff;
	s8 =	sadd.s32 s3, s11;
	s9 =	sadd.s32 s9, s11;
	s11 =	simm.s32 $0x2  }
0x10: {  	vm12 =	vmmov $0x1fff;
	vm13 =	vmmov $0x3fff;
	vm14 =	vmmov $0x7fff;
	s0 =	simm.s32 $0x380;
	s3 =	simm.s32 $0x7400;
	s10 =	smax.u32 s10, $0x1  }
.LBB2_1:
0x11: {  	[tilespmem:s2], [sflag:$0x2] =	stream.linear.gather [hbm4b:s7+s2], $0x200, $0x38;
	[tilespmem:$0x8A00] =	vst v63  }
0x12: {  	_ =	swait.ge [sflag:s11], $0x200  }
0x13: {  	[sflag:s11] =	ssyncset.done $0x0  }
0x14: {  	[sflag:s11] =	ssyncadd.s32 $0xFFFFFE00  }
0x15: {  	[tilespmem:s12], [sflag:$0x2] =	stream.linear.gather [hbm4b:s8+s2], $0x200, $0x38;
	[tilespmem:$0x8A00] =	vst v63  }
0x16: {  	_ =	swait.ge [sflag:s11], $0x200  }
0x17: {  	[sflag:s11] =	ssyncset.done $0x0  }
0x18: {  	s20 =	simm.s32 $0x400;
	[sflag:s11] =	ssyncadd.s32 $0xFFFFFE00  }
0x19: {  	[tilespmem:s20], [sflag:$0x1] =	stream.indirect.gather [hbm4b:s4+s13], $0x20, s2, s13, $0xb8;
	[tilespmem:$0x8A00] =	vst v63  }
0x1a: {  	s26 =	simm.s32 $0x4400  }
0x1b: {  	[tilespmem:s26], [sflag:$0x1] =	stream.indirect.gather [hbm4b:s5+s13], $0x20, s12, s13, $0xb8;
	[tilespmem:$0x8A00] =	vst v63  }
0x1c: {  	s21 =	simm.s32 $0x8400  }
0x1d: {  	[tilespmem:s21], [sflag:$0x1] =	stream.indirect.gather [hbm4b:s6+s13], $0x1, s2, s13, $0xb8;
	[tilespmem:$0x8A00] =	vst v63  }
0x1e: {  	s22 =	simm.s32 $0x8600  }
0x1f: {  	[tilespmem:s22], [sflag:$0x1] =	stream.indirect.gather [hbm4b:s1+s13], $0x1, s12, s13, $0xb8;
	[tilespmem:$0x8A00] =	vst v63  }
0x20: {  	s24 =	simm.s32 $0x1400  }
0x21: {  	[tilespmem:s24], [sflag:$0x1] =	stream.indirect.gather [hbm4b:s4+s13], $0x20, s13, s13, $0xb8;
	[tilespmem:$0x8A00] =	vst v63  }
0x22: {  	s26 =	simm.s32 $0x5400  }
0x23: {  	[tilespmem:s26], [sflag:$0x1] =	stream.indirect.gather [hbm4b:s5+s13], $0x20, s19, s13, $0xb8;
	[tilespmem:$0x8A00] =	vst v63  }
0x24: {  	s21 =	simm.s32 $0x8480  }
0x25: {  	[tilespmem:s21], [sflag:$0x1] =	stream.indirect.gather [hbm4b:s6+s13], $0x1, s13, s13, $0xb8;
	[tilespmem:$0x8A00] =	vst v63  }
0x26: {  	s22 =	simm.s32 $0x8680  }
0x27: {  	[tilespmem:s22], [sflag:$0x1] =	stream.indirect.gather [hbm4b:s1+s13], $0x1, s19, s13, $0xb8;
	[tilespmem:$0x8A00] =	vst v63  }
0x28: {  	s24 =	simm.s32 $0x2400  }
0x29: {  	[tilespmem:s24], [sflag:$0x1] =	stream.indirect.gather [hbm4b:s4+s13], $0x20, s23, s13, $0xb8;
	[tilespmem:$0x8A00] =	vst v63  }
0x2a: {  	s26 =	simm.s32 $0x6400  }
0x2b: {  	[tilespmem:s26], [sflag:$0x1] =	stream.indirect.gather [hbm4b:s5+s13], $0x20, s25, s13, $0xb8;
	[tilespmem:$0x8A00] =	vst v63  }
0x2c: {  	_ = 	snop  }
0x2d: {  	[tilespmem:s28], [sflag:$0x1] =	stream.indirect.gather [hbm4b:s6+s13], $0x1, s23, s13, $0xb8;
	[tilespmem:$0x8A00] =	vst v63  }
0x2e: {  	_ = 	snop  }
0x2f: {  	[tilespmem:s29], [sflag:$0x1] =	stream.indirect.gather [hbm4b:s1+s13], $0x1, s25, s13, $0xb8;
	[tilespmem:$0x8A00] =	vst v63  }
0x30: {  	_ = 	snop  }
0x31: {  	[tilespmem:s31], [sflag:$0x1] =	stream.indirect.gather [hbm4b:s4+s13], $0x20, s30, s13, $0xb8;
	[tilespmem:$0x8A00] =	vst v63  }
0x32: {  	_ = 	snop  }
0x33: {  	[tilespmem:s3], [sflag:$0x1] =	stream.indirect.gather [hbm4b:s5+s13], $0x20, s0, s13, $0xb8;
	[tilespmem:$0x8A00] =	vst v63  }
0x34: {  	_ = 	snop  }
0x35: {  	[tilespmem:s14], [sflag:$0x1] =	stream.indirect.gather [hbm4b:s6+s13], $0x1, s30, s13, $0xb8;
	[tilespmem:$0x8A00] =	vst v63  }
0x36: {  	_ = 	snop  }
0x37: {  	[tilespmem:s15], [sflag:$0x1] =	stream.indirect.gather [hbm4b:s1+s13], $0x1, s0, s13, $0xb8;
	[tilespmem:$0x8A00] =	vst v63  }
0x38: {  	_ =	swait.ge [sflag:s16], $0x1000  }
0x39: {  	[sflag:s16] =	ssyncset.done $0x0  }
0x3a: {  	[sflag:s16] =	ssyncadd.s32 $0xFFFFF000  }
0x3b: {  	_ =	swait.ge [sflag:s16], $0x1000  }
0x3c: {  	[sflag:s16] =	ssyncset.done $0x0  }
0x3d: {  	[sflag:s16] =	ssyncadd.s32 $0xFFFFF000  }
0x3e: {  	_ =	swait.ge [sflag:s16], $0x80  }
0x3f: {  	[sflag:s16] =	ssyncset.done $0x0  }
0x40: {  	[sflag:s16] =	ssyncadd.s32 $0xFFFFFF80  }
0x41: {  	_ =	swait.ge [sflag:s16], $0x80  }
0x42: {  	[sflag:s16] =	ssyncset.done $0x0  }
0x43: {  	[sflag:s16] =	ssyncadd.s32 $0xFFFFFF80  }
0x44: {  	_ =	swait.ge [sflag:s16], $0x1000  }
0x45: {  	[sflag:s16] =	ssyncset.done $0x0  }
0x46: {  	[sflag:s16] =	ssyncadd.s32 $0xFFFFF000  }
0x47: {  	_ =	swait.ge [sflag:s16], $0x1000  }
0x48: {  	[sflag:s16] =	ssyncset.done $0x0  }
0x49: {  	[sflag:s16] =	ssyncadd.s32 $0xFFFFF000  }
0x4a: {  	_ =	swait.ge [sflag:s16], $0x80  }
0x4b: {  	[sflag:s16] =	ssyncset.done $0x0  }
0x4c: {  	[sflag:s16] =	ssyncadd.s32 $0xFFFFFF80  }
0x4d: {  	_ =	swait.ge [sflag:s16], $0x80  }
0x4e: {  	[sflag:s16] =	ssyncset.done $0x0  }
0x4f: {  	[sflag:s16] =	ssyncadd.s32 $0xFFFFFF80  }
0x50: {  	_ =	swait.ge [sflag:s16], $0x1000  }
0x51: {  	[sflag:s16] =	ssyncset.done $0x0  }
0x52: {  	[sflag:s16] =	ssyncadd.s32 $0xFFFFF000  }
0x53: {  	_ =	swait.ge [sflag:s16], $0x1000  }
0x54: {  	[sflag:s16] =	ssyncset.done $0x0  }
0x55: {  	[sflag:s16] =	ssyncadd.s32 $0xFFFFF000  }
0x56: {  	_ =	swait.ge [sflag:s16], $0x80  }
0x57: {  	[sflag:s16] =	ssyncset.done $0x0  }
0x58: {  	[sflag:s16] =	ssyncadd.s32 $0xFFFFFF80  }
0x59: {  	_ =	swait.ge [sflag:s16], $0x80  }
0x5a: {  	[sflag:s16] =	ssyncset.done $0x0  }
0x5b: {  	[sflag:s16] =	ssyncadd.s32 $0xFFFFFF80  }
0x5c: {  	_ =	swait.ge [sflag:s16], $0x1000  }
0x5d: {  	[sflag:s16] =	ssyncset.done $0x0  }
0x5e: {  	[sflag:s16] =	ssyncadd.s32 $0xFFFFF000  }
0x5f: {  	_ =	swait.ge [sflag:s16], $0x1000  }
0x60: {  	[sflag:s16] =	ssyncset.done $0x0  }
0x61: {  	[sflag:s16] =	ssyncadd.s32 $0xFFFFF000  }
0x62: {  	_ =	swait.ge [sflag:s16], $0x80  }
0x63: {  	[sflag:s16] =	ssyncset.done $0x0  }
0x64: {  	[sflag:s16] =	ssyncadd.s32 $0xFFFFFF80  }
0x65: {  	_ =	swait.ge [sflag:s16], $0x80  }
0x66: {  	[sflag:s16] =	ssyncset.done $0x0  }
0x67: {  	s21 =	simm.s32 $0x500;
	[sflag:s16] =	ssyncadd.s32 $0xFFFFFF80  }
0x68: {  	s20 =	simm.s32 $0x4500;
	v2 =	vld [tilespmem:s21+$0xC0]  }
0x69: {  	v3 =	vld [tilespmem:s20+$0xC0]  }
0x6a: {  	v5 =	vld [tilespmem:s21+$0xD0]  }
0x6b: {  	v6 =	vld [tilespmem:s20+$0xD0]  }
0x6c: {  	v0 =	vld [tilespmem:s21+$0xA0]  }
0x6d: {  	v7 =	vld [tilespmem:s21+$0x80]  }
0x6e: {  	v8 =	vld [tilespmem:s20+$0x80]  }
0x6f: {  	v9 =	vld [tilespmem:s21+$0x90]  }
0x70: {  	v10 =	vld [tilespmem:s20+$0x90]  }
0x71: {  	v11 =	vld [tilespmem:s21+$0x60]  }
0x72: {  	v12 =	vld [tilespmem:s20+$0x60]  }
0x73: {  	v13 =	vld [tilespmem:s21+$0x70]  }
0x74: {  	v14 =	vld [tilespmem:s20+$0x70]  }
0x75: {  	v1 =	vld [tilespmem:s21+$0x40]  }
0x76: {  	v15 =	vld [tilespmem:s21+$0x20]  }
0x77: {  	v16 =	vld [tilespmem:s20+$0x20]  }
0x78: {  	v17 =	vld [tilespmem:s21+$0x30]  }
0x79: {  	v18 =	vld [tilespmem:s20+$0x30]  }
0x7a: {  	v19 =	vld [tilespmem:s21+$0x0]  }
0x7b: {  	v20 =	vld [tilespmem:s20+$0x0]  }
0x7c: {  	v21 =	vld [tilespmem:s21+$0x10]  }
0x7d: {  	v22 =	vld [tilespmem:s20+$0x10]  }
0x7e: {  	v4 =	vld [tilespmem:s21+$0xFFFFFFE0]  }
0x7f: {  	v23 =	vld [tilespmem:s21+$0xFFFFFFC0]  }
0x80: {  	v24 =	vld [tilespmem:s20+$0xFFFFFFC0];
	v2 =	vmul.f32 v3, v2;
	v3 =	vmul.f32 v6, v5  }
0x81: {  	v25 =	vld [tilespmem:s21+$0xFFFFFFD0]  }
0x82: {  	v26 =	vld [tilespmem:s20+$0xFFFFFFD0];
	v2 =	vadd.f32 v3, v2  }
0x83: {  	v27 =	vld [tilespmem:s21+$0xFFFFFFA0];
	v6 =	vmul.f32 v8, v7;
	v8 =	vmul.f32 v10, v9  }
0x84: {  	v28 =	vld [tilespmem:s20+$0xFFFFFFA0];
	(xrf2) =	vadd.scan.msk.f32 $0xffff, v2  }
0x85: {  	v29 =	vld [tilespmem:s21+$0xFFFFFFB0];
	v9 =	vmul.f32 v14, v13;
	v3 =	vmul.f32 v12, v11;
	v6 =	vadd.f32 v8, v6  }
0x86: {  	v5 =	vld [tilespmem:s20+$0xFFFFFFB0];
	v10 =	vmul.f32 v18, v17;
	v8 =	vmul.f32 v16, v15  }
0x87: {  	v7 =	vld [tilespmem:s21+$0xFFFFFF80];
	v2 =	vadd.f32 v9, v3;
	(xrf2) =	vadd.scan.msk.f32 $0xffff, v6  }
0x88: {  	v13 =	vld [tilespmem:s20+$0xFFFFFF60];
	v6 =	vadd.f32 v10, v8  }
0x89: {  	v14 =	vld [tilespmem:s20+$0xFFFFFF70];
	(xrf2) =	vadd.scan.msk.f32 $0xffff, v2  }
0x8a: {  	v17 =	vld [tilespmem:s21+$0xFFFFFF50];
	v2 =	vmul.f32 v20, v19;
	(xrf2) =	vadd.scan.msk.f32 $0xffff, v6;
	v6 =	vmul.f32 v22, v21  }
0x8b: {  	v18 =	vld [tilespmem:s20+$0xFFFFFF50]  }
0x8c: {  	v3 =	vld [tilespmem:s21+$0xFFFFFF70];
	v6 =	vadd.f32 v6, v2  }
0x8d: {  	v11 =	vld [tilespmem:s21+$0xFFFFFF60];
	v12 =	vmul.f32 v24, v23;
	v19 =	vmul.f32 v26, v25  }
0x8e: {  	v15 =	vld [tilespmem:s21+$0xFFFFFF40];
	v2, _, _ =	vpop (xrf2);
	(xrf2) =	vadd.scan.msk.f32 $0xffff, v6  }
0x8f: {  	v16 =	vld [tilespmem:s20+$0xFFFFFF40];
	v19 =	vadd.f32 v19, v12  }
0x90: {  	v62 =	vmul.f32 v28, v27;
	v9 =	vld [tilespmem:s21+$0xFFFFFF00];
	v5 =	vmul.f32 v5, v29  }
0x91: {  	v8 =	vld [tilespmem:s20+$0xFFFFFF00];
	v14 =	vmul.f32 v14, v3;
	v3, _, _ =	vpop (xrf2);
	(xrf2) =	vadd.scan.msk.f32 $0xffff, v19  }
0x92: {  	v10 =	vld [tilespmem:s21+$0xFFFFFF10];
	v6 =	vadd.f32 v5, v62  }
0x93: {  	v63 =	vmul.f32 v13, v11;
	v11 =	vld [tilespmem:s21+$0xFFFFFF20]  }
0x94: {  	v12 =	vld [tilespmem:s20+$0xFFFFFF10];
	v5, _, _ =	vpop (xrf2);
	(xrf2) =	vadd.scan.msk.f32 $0xffff, v6  }
0x95: {  	v13 =	vld [tilespmem:s20+$0xFFFFFF20];
	v19 =	vadd.f32 v14, v63  }
0x96: {  	v17 =	vmul.f32 v18, v17;
	v16 =	vmul.f32 v16, v15;
	v15 =	vld [tilespmem:s20+$0xFFFFFF30]  }
0x97: {  	s22 =	simm.s32 $0x0;
	s24 =	simm.s32 $0x40;
	v14 =	vld [tilespmem:s21+$0xFFFFFF30];
	v6, _, _ =	vpop (xrf2);
	(xrf2) =	vadd.scan.msk.f32 $0xffff, v19  }
.LBB2_2:
0x98: {  	p0 =	sne.s32 s24, $0x7C0;
	v19 =	vadd.f32 v17, v16;
	v17 =	vld [tilespmem:s20+$0xFFFFFF80];
	v18, _, _ =	vpop (xrf2)  }
0x99: {  	v8 =	vmul.f32 v8, v9;
	v9 =	vmul.f32 v12, v10;
	v10 =	vld [tilespmem:s21+$0xFFFFFF90]  }
0x9a: {  	v12 =	vld [tilespmem:s20+$0xFFFFFF90];
	(xrf2) =	vadd.scan.msk.f32 $0xffff, v19  }
0x9b: {  	v8 =	vadd.f32 v9, v8;
	v9 =	vld [tilespmem:s20+$0xFFFFFFE0];
	v16, _, _ =	vpop (xrf2)  }
0x9c: {  	v11 =	vmul.f32 v13, v11;
	v19 =	vmul.f32 v15, v14;
	v14 =	vld [tilespmem:s21+$0xFFFFFFF0]  }
0x9d: {  	v15 =	vld [tilespmem:s20+$0xFFFFFFF0];
	(xrf2) =	vadd.scan.msk.f32 $0xffff, v8  }
0x9e: {  	v8 =	vadd.f32 v19, v11;
	v11 =	vld [tilespmem:s20+$0x40];
	v13, _, _ =	vpop (xrf2)  }
0x9f: {  	v7 =	vmul.f32 v17, v7;
	v19 =	vmul.f32 v12, v10;
	v12 =	vld [tilespmem:s21+$0x50]  }
0xa0: {  	v17 =	vld [tilespmem:s20+$0x50];
	(xrf2) =	vadd.scan.msk.f32 $0xffff, v8  }
0xa1: {  	v7 =	vadd.f32 v19, v7;
	v8 =	vld [tilespmem:s20+$0xA0];
	v10, _, _ =	vpop (xrf2)  }
0xa2: {  	v4 =	vmul.f32 v9, v4;
	v19 =	vmul.f32 v15, v14;
	v14 =	vld [tilespmem:s21+$0xB0]  }
0xa3: {  	v15 =	vld [tilespmem:s20+$0xB0];
	(xrf2) =	vadd.scan.msk.f32 $0xffff, v7  }
0xa4: {  	v4 =	vadd.f32 v19, v4;
	v7 =	vld [tilespmem:s21+$0xE0];
	v9, _, _ =	vpop (xrf2)  }
0xa5: {  	v1 =	vmul.f32 v11, v1;
	v19 =	vmul.f32 v17, v12;
	v12 =	vld [tilespmem:s20+$0xE0]  }
0xa6: {  	v17 =	vld [tilespmem:s21+$0xF0];
	(xrf2) =	vadd.scan.msk.f32 $0xffff, v4  }
0xa7: {  	v1 =	vadd.f32 v19, v1;
	v4 =	vld [tilespmem:s20+$0xF0];
	v11, _, _ =	vpop (xrf2)  }
0xa8: {  	v0 =	vmul.f32 v8, v0;
	v8 =	vmul.f32 v15, v14  }
0xa9: {  	(xrf2) =	vadd.scan.msk.f32 $0xffff, v1  }
0xaa: {  	v0 =	vadd.f32 v8, v0;
	v1 =	vmul.f32 v12, v7;
	v7, _, _ =	vpop (xrf2)  }
0xab: {  	v11 =	vbroadcast v11, $0xF;
	v7 =	vbroadcast v7, $0xF  }
0xac: {  	v9 =	vbroadcast v9, $0xF;
	v4 =	vmul.f32 v4, v17;
	(xrf2) =	vadd.scan.msk.f32 $0xffff, v0  }
0xad: {  	v0 =	vsel vm0, v11, v7;
	v7 =	vbroadcast v10, $0xF;
	v8, _, _ =	vpop (xrf2)  }
0xae: {  	v0 =	vsel vm1, v0, v9;
	v9 =	vbroadcast v8, $0xF;
	v1 =	vadd.f32 v4, v1  }
0xaf: {  	v4 =	vbroadcast v13, $0xF;
	v0 =	vsel vm2, v0, v7  }
0xb0: {  	v7 =	vbroadcast v16, $0xF;
	v0 =	vsel vm3, v0, v9;
	v8, _, _ =	vpop (xrf2);
	(xrf2) =	vadd.scan.msk.f32 $0xffff, v1  }
0xb1: {  	v0 =	vsel vm4, v0, v4;
	v1 =	vbroadcast v8, $0xF  }
0xb2: {  	v4 =	vbroadcast v18, $0xF;
	v0 =	vsel vm5, v0, v7  }
0xb3: {  	v0 =	vsel vm6, v0, v1;
	v1 =	vbroadcast v6, $0xF;
	v6, _, _ =	vpop (xrf2)  }
0xb4: {  	v0 =	vsel vm7, v0, v4;
	v6 =	vbroadcast v6, $0xF  }
0xb5: {  	v0 =	vsel vm8, v0, v1;
	v1 =	vbroadcast v5, $0xF  }
0xb6: {  	v3 =	vbroadcast v3, $0xF;
	s26 =	sshra.s32 s22, $0x2;
	s22 =	smov.u32 s24;
	v0 =	vsel vm9, v0, v6;
	v4, _, _ =	vpop (xrf2)  }
0xb7: {  	v0 =	vsel vm10, v0, v1;
	v1 =	vbroadcast v4, $0xF;
	v4 =	vld [tilespmem:s26+$0x8400]  }
0xb8: {  	v0 =	vsel vm11, v0, v3;
	v3 =	vbroadcast v2, $0xF  }
0xb9: {  	v0 =	vsel vm12, v0, v1;
	v1 =	vld [tilespmem:s26+$0x8600]  }
0xba: {  	v0 =	vsel vm13, v0, v3;
	v2, _, _ =	vpop (xrf2)  }
0xbb: {  	v0 =	vsel vm14, v0, v2  }
0xbc: {  	v0 =	vadd.f32 v0, v4;
	_ =	sdelay $0x1  }
0xbd: {  	v0 =	vadd.f32 v0, v1;
	_ =	sdelay $0x1  }
0xbe: {  	s21 =	sadd.s32 $0x200, s21;
	[tilespmem:s26+$0x8800] =	vst v0  }
0xbf: {  	s20 =	sadd.s32 $0x200, s20;
	v2 =	vld [tilespmem:s21+$0xC0]  }
0xc0: {  	v3 =	vld [tilespmem:s20+$0xC0]  }
0xc1: {  	v5 =	vld [tilespmem:s21+$0xD0]  }
0xc2: {  	v6 =	vld [tilespmem:s20+$0xD0]  }
0xc3: {  	v0 =	vld [tilespmem:s21+$0xA0]  }
0xc4: {  	v7 =	vld [tilespmem:s21+$0x80]  }
0xc5: {  	v8 =	vld [tilespmem:s20+$0x80]  }
0xc6: {  	v9 =	vld [tilespmem:s21+$0x90]  }
0xc7: {  	v10 =	vld [tilespmem:s20+$0x90]  }
0xc8: {  	v11 =	vld [tilespmem:s21+$0x60]  }
0xc9: {  	v12 =	vld [tilespmem:s20+$0x60]  }
0xca: {  	v13 =	vld [tilespmem:s21+$0x70]  }
0xcb: {  	v14 =	vld [tilespmem:s20+$0x70]  }
0xcc: {  	v1 =	vld [tilespmem:s21+$0x40]  }
0xcd: {  	v15 =	vld [tilespmem:s21+$0x20]  }
0xce: {  	v16 =	vld [tilespmem:s20+$0x20]  }
0xcf: {  	v17 =	vld [tilespmem:s21+$0x30]  }
0xd0: {  	v18 =	vld [tilespmem:s20+$0x30]  }
0xd1: {  	v19 =	vld [tilespmem:s21+$0x0]  }
0xd2: {  	v20 =	vld [tilespmem:s20+$0x0]  }
0xd3: {  	v21 =	vld [tilespmem:s21+$0x10]  }
0xd4: {  	v22 =	vld [tilespmem:s20+$0x10]  }
0xd5: {  	v2 =	vmul.f32 v3, v2;
	v3 =	vmul.f32 v6, v5;
	v4 =	vld [tilespmem:s21+$0xFFFFFFE0]  }
0xd6: {  	v5 =	vld [tilespmem:s21+$0xFFFFFFC0]  }
0xd7: {  	v2 =	vadd.f32 v3, v2;
	v6 =	vld [tilespmem:s20+$0xFFFFFFC0]  }
0xd8: {  	v7 =	vmul.f32 v8, v7;
	v8 =	vmul.f32 v10, v9;
	v3 =	vld [tilespmem:s21+$0xFFFFFFD0]  }
0xd9: {  	v9 =	vld [tilespmem:s20+$0xFFFFFFD0];
	(xrf2) =	vadd.scan.msk.f32 $0xffff, v2  }
0xda: {  	v2 =	vadd.f32 v8, v7;
	v10 =	vld [tilespmem:s21+$0xFFFFFFA0]  }
0xdb: {  	v7 =	vmul.f32 v12, v11;
	v8 =	vmul.f32 v14, v13;
	v23 =	vld [tilespmem:s20+$0xFFFFFFA0]  }
0xdc: {  	v11 =	vld [tilespmem:s21+$0xFFFFFFB0];
	(xrf2) =	vadd.scan.msk.f32 $0xffff, v2  }
0xdd: {  	v2 =	vadd.f32 v8, v7;
	v12 =	vld [tilespmem:s20+$0xFFFFFFB0]  }
0xde: {  	v13 =	vmul.f32 v18, v17;
	v8 =	vmul.f32 v16, v15;
	v7 =	vld [tilespmem:s21+$0xFFFFFF80]  }
0xdf: {  	v14 =	vld [tilespmem:s21+$0xFFFFFF60];
	(xrf2) =	vadd.scan.msk.f32 $0xffff, v2  }
0xe0: {  	v24 =	vadd.f32 v13, v8;
	v15 =	vld [tilespmem:s20+$0xFFFFFF60]  }
0xe1: {  	v16 =	vmul.f32 v22, v21;
	v8 =	vmul.f32 v20, v19;
	v13 =	vld [tilespmem:s21+$0xFFFFFF70]  }
0xe2: {  	v17 =	vld [tilespmem:s20+$0xFFFFFF70];
	(xrf2) =	vadd.scan.msk.f32 $0xffff, v24  }
0xe3: {  	v8 =	vadd.f32 v16, v8;
	v18 =	vld [tilespmem:s21+$0xFFFFFF40];
	v2, _, _ =	vpop (xrf2)  }
0xe4: {  	v5 =	vmul.f32 v6, v5;
	v6 =	vmul.f32 v9, v3;
	v16 =	vld [tilespmem:s20+$0xFFFFFF40]  }
0xe5: {  	v19 =	vld [tilespmem:s21+$0xFFFFFF50];
	(xrf2) =	vadd.scan.msk.f32 $0xffff, v8  }
0xe6: {  	v21 =	vadd.f32 v6, v5;
	v20 =	vld [tilespmem:s20+$0xFFFFFF50];
	v3, _, _ =	vpop (xrf2)  }
0xe7: {  	v6 =	vmul.f32 v23, v10;
	v11 =	vmul.f32 v12, v11;
	v8 =	vld [tilespmem:s20+$0xFFFFFF00]  }
0xe8: {  	v9 =	vld [tilespmem:s21+$0xFFFFFF00];
	(xrf2) =	vadd.scan.msk.f32 $0xffff, v21  }
0xe9: {  	v22 =	vadd.f32 v11, v6;
	v10 =	vld [tilespmem:s21+$0xFFFFFF10];
	v5, _, _ =	vpop (xrf2)  }
.Ltmp0:
0xea: {  	v14 =	vmul.f32 v15, v14;
	v15 =	vmul.f32 v17, v13;
	v12 =	vld [tilespmem:s20+$0xFFFFFF10];
	(pc) =	sbr.rel @p0 .LBB2_2-.Ltmp0, $4  }
0xeb: {  	v11 =	vld [tilespmem:s21+$0xFFFFFF20];
	(xrf2) =	vadd.scan.msk.f32 $0xffff, v22  }
0xec: {  	v21 =	vadd.f32 v15, v14;
	v13 =	vld [tilespmem:s20+$0xFFFFFF20];
	v6, _, _ =	vpop (xrf2)  }
0xed: {  	v16 =	vmul.f32 v16, v18;
	v17 =	vmul.f32 v20, v19;
	v14 =	vld [tilespmem:s21+$0xFFFFFF30]  }
0xee: {  	s24 =	sadd.s32 $0x40, s24;
	v15 =	vld [tilespmem:s20+$0xFFFFFF30];
	(xrf2) =	vadd.scan.msk.f32 $0xffff, v21  }
0xef: {  	v18 =	vld [tilespmem:s20+$0xFFFFFF80]  }
0xf0: {  	v19 =	vld [tilespmem:s21+$0xFFFFFF90]  }
0xf1: {  	v20 =	vld [tilespmem:s20+$0xFFFFFF90]  }
0xf2: {  	v8 =	vmul.f32 v8, v9;
	v62 =	vmul.f32 v12, v10;
	v63 =	vld [tilespmem:s20+$0xFFFFFFE0]  }
0xf3: {  	v17 =	vadd.f32 v17, v16;
	v22 =	vld [tilespmem:s21+$0xFFFFFFF0];
	v11 =	vmul.f32 v13, v11;
	v21 =	vmul.f32 v15, v14  }
0xf4: {  	v23 =	vld [tilespmem:s20+$0xFFFFFFF0];
	v8 =	vadd.f32 v62, v8  }
0xf5: {  	v24 =	vld [tilespmem:s20+$0x40];
	(xrf2) =	vadd.scan.msk.f32 $0xffff, v17;
	v11 =	vadd.f32 v21, v11  }
0xf6: {  	v26 =	vld [tilespmem:s21+$0x50];
	(xrf2) =	vadd.scan.msk.f32 $0xffff, v8;
	v7 =	vmul.f32 v18, v7;
	v25 =	vmul.f32 v20, v19  }
0xf7: {  	v27 =	vld [tilespmem:s20+$0x50];
	(xrf2) =	vadd.scan.msk.f32 $0xffff, v11  }
0xf8: {  	v28 =	vld [tilespmem:s20+$0xA0];
	v7 =	vadd.f32 v25, v7  }
0xf9: {  	v29 =	vld [tilespmem:s21+$0xB0];
	v4 =	vmul.f32 v63, v4;
	v9 =	vmul.f32 v23, v22  }
0xfa: {  	v30 =	vld [tilespmem:s20+$0xB0];
	(xrf2) =	vadd.scan.msk.f32 $0xffff, v7  }
0xfb: {  	v31, _, _ =	vpop (xrf2);
	v32 =	vld [tilespmem:s21+$0xE0];
	v4 =	vadd.f32 v9, v4  }
0xfc: {  	v35 =	vld [tilespmem:s20+$0xE0];
	v33, _, _ =	vpop (xrf2);
	v1 =	vmul.f32 v24, v1;
	v34 =	vmul.f32 v27, v26  }
0xfd: {  	v37 =	vld [tilespmem:s21+$0xF0];
	v36, _, _ =	vpop (xrf2);
	(xrf2) =	vadd.scan.msk.f32 $0xffff, v4  }
0xfe: {  	v39 =	vld [tilespmem:s20+$0xF0];
	v1 =	vadd.f32 v34, v1;
	v38, _, _ =	vpop (xrf2)  }
0xff: {  	v0 =	vmul.f32 v28, v0;
	v41 =	vmul.f32 v30, v29;
	v40, _, _ =	vpop (xrf2)  }
0x100: {  	(xrf2) =	vadd.scan.msk.f32 $0xffff, v1;
	v42, _, _ =	vpop (xrf2)  }
0x101: {  	v43 =	vmul.f32 v35, v32;
	v0 =	vadd.f32 v41, v0;
	v44, _, _ =	vpop (xrf2)  }
0x102: {  	v45 =	vbroadcast v42, $0xF;
	v8 =	vbroadcast v44, $0xF  }
0x103: {  	v47 =	vmul.f32 v39, v37;
	(xrf2) =	vadd.scan.msk.f32 $0xffff, v0;
	v46 =	vbroadcast v40, $0xF  }
0x104: {  	v4 =	vbroadcast v38, $0xF;
	v49, _, _ =	vpop (xrf2);
	v48 =	vsel vm0, v45, v8  }
0x105: {  	v1 =	vadd.f32 v47, v43;
	v8 =	vbroadcast v49, $0xF;
	v0 =	vsel vm1, v48, v46  }
0x106: {  	v50 =	vbroadcast v36, $0xF;
	v0 =	vsel vm2, v0, v4  }
0x107: {  	v51 =	vbroadcast v33, $0xF;
	v52, _, _ =	vpop (xrf2);
	(xrf2) =	vadd.scan.msk.f32 $0xffff, v1;
	v0 =	vsel vm3, v0, v8  }
0x108: {  	v53 =	vbroadcast v52, $0xF;
	v0 =	vsel vm4, v0, v50  }
0x109: {  	v54 =	vbroadcast v31, $0xF;
	v0 =	vsel vm5, v0, v51  }
0x10a: {  	v55 =	vbroadcast v6, $0xF;
	v56, _, _ =	vpop (xrf2);
	v0 =	vsel vm6, v0, v53  }
0x10b: {  	v57 =	vbroadcast v56, $0xF;
	v0 =	vsel vm7, v0, v54  }
0x10c: {  	v58 =	vbroadcast v5, $0xF;
	v0 =	vsel vm8, v0, v55  }
0x10d: {  	v3 =	vbroadcast v3, $0xF;
	s26 =	sshra.s32 s22, $0x2;
	v59, _, _ =	vpop (xrf2);
	v0 =	vsel vm9, v0, v57  }
0x10e: {  	v61 =	vld [tilespmem:s26+$0x8400];
	v60 =	vbroadcast v59, $0xF;
	v0 =	vsel vm10, v0, v58  }
0x10f: {  	v2 =	vbroadcast v2, $0xF;
	v0 =	vsel vm11, v0, v3  }
0x110: {  	v62 =	vld [tilespmem:s26+$0x8600];
	v0 =	vsel vm12, v0, v60  }
0x111: {  	v63, _, _ =	vpop (xrf2);
	v0 =	vsel vm13, v0, v2  }
0x112: {  	v0 =	vsel vm14, v0, v63  }
0x113: {  	v0 =	vadd.f32 v0, v61;
	_ =	sdelay $0x1  }
0x114: {  	s18 =	sadd.s32 $0x1, s18;
	v0 =	vadd.f32 v0, v62  }
0x115: {  	p0 =	sne.s32 s18, s10  }
.Ltmp1:
0x116: {  	[tilespmem:s26+$0x8800] =	vst v0;
	(pc) =	sbr.rel @p0 .LBB2_1-.Ltmp1, $4  }
0x117: {  	[hbm4b:s9+s2] =	stream.linear.scatter [tilespmem:s17], [sflag:$0x2], $0x200, $0x38;
	[tilespmem:$0x8A00] =	vst v63  }
0x118: {  	_ =	swait.ge [sflag:s11], $0x200  }
0x119: {  	[sflag:s11] =	ssyncset.done $0x0  }
0x11a: {  	[sflag:s11] =	ssyncadd.s32 $0xFFFFFE00  }
0x11b: {  	_ =	sfence.sel $0x180000  }
0x11c: {  	[bflag:$0x0] =	sbarrier.arrive $0xFFFF  }
0x11d: {  	_ =	strace $0x90000047  }
0x11e: {  	s0 =	stileid.u32;
	[bflag:$0x2] =	sbarrier.arrive $0xFFFF  }
0x11f: {  	p0 =	sne.s32 s0, $0x0;
	s0 =	rddreg [dreg:$0x4]  }
0x120: {  	s0 =	sadd.s32 @!p0 $0x100000, s0  }
0x121: {  	[sflag:s0] =	ssyncadd.tile.s32 @!p0 $0x1;
	_ =	shalt  }
.Lfunc_end2:
_tile_overlayer_lowered:
.L_overlay_start_2:
0x122: {  	(tag) =	ssettag $0x2  }
0x123: {  	s0 =	rddreg [dreg:$0x0];
	s2 =	stileid.u32  }
0x124: {  	s1 =	rddreg [dreg:$0x1];
	p0 =	sne.s32 s2, $0x0  }
0x125: {  	s3 =	rddreg [dreg:$0x2];
	[bflag:$0x3] =	sbarrier.arrive $0xFFFF;
	s2 =	simm.s32 @!p0 $0x1C02  }
0x126: {  	[timem:s3], [sflag:s2] =	dma.local @!p0 [hbm:s0], s1  }
0x127: {  	s0 =	simm.s32 @!p0 $0x2  }
0x128: {  	_ =	swait.ge @!p0 [sflag:s0], s1  }
0x129: {  	s1 =	ssub.s32 @!p0 $0x0, s1;
	[sflag:s0] =	ssyncset.done @!p0 $0x0  }
0x12a: {  	[sflag:s0] =	ssyncadd.s32 @!p0 s1  }
0x12b: {  	[bflag:$0x3] =	sbarrier.arrive $0xFFFF  }
0x12c: {  	_ =	shalt  }

</sc_bundles>
